<compile_context>
chip_gen: v7x
topology: tpu7x:2x2x1
jax: 0.10.2.dev20260603
libtpu: 0.0.44.dev20260713+nightly
codegen_flags: <defaults>
</compile_context>

<pallas_src>
import functools

import numpy as np
import jax
import jax.numpy as jnp
from jax import lax
from jax.experimental import pallas as pl
from jax.experimental.pallas import tpu as pltpu
from jax.experimental.pallas import tpu_sc as plsc

NUM_LABELS = 80
NUM_DENOISING = 1024
LABEL_NOISE_RATIO = 0.5
BOX_NOISE_SCALE = 1.0
BATCH = 8
MAX_GT = 128
NUM_QUERIES = 300

NUM_GROUPS = max(1, NUM_DENOISING // MAX_GT)
TOTAL = MAX_GT * 2 * NUM_GROUPS
GROUP = MAX_GT * 2
TARGET = TOTAL + NUM_QUERIES
MAX_LEN = MAX_GT * NUM_GROUPS

_GROUPS_PER_BLOCK = 2
_ROW_BLOCK = GROUP * _GROUPS_PER_BLOCK
_N_ROW_BLOCKS = (TARGET + _ROW_BLOCK - 1) // _ROW_BLOCK


def _threefry_core(k0, k1, x0, x1):
    ks0, ks1 = np.uint32(k0), np.uint32(k1)
    ks2 = np.uint32(ks0 ^ ks1 ^ np.uint32(0x1BD11BDA))
    x0 = (x0 + ks0).astype(np.uint32)
    x1 = (x1 + ks1).astype(np.uint32)
    rot = ((13, 15, 26, 6), (17, 29, 16, 24))
    ks = (ks0, ks1, ks2)

    def rotl(x, r):
        return ((x << np.uint32(r)) | (x >> np.uint32(32 - r))).astype(np.uint32)

    for i in range(5):
        for r in rot[i % 2]:
            x0 = (x0 + x1).astype(np.uint32)
            x1 = rotl(x1, r)
            x1 = (x1 ^ x0).astype(np.uint32)
        x0 = (x0 + ks[(i + 1) % 3]).astype(np.uint32)
        x1 = (x1 + ks[(i + 2) % 3] + np.uint32(i + 1)).astype(np.uint32)
    return x0, x1


def _np_random_bits(keypair, shape):
    n = int(np.prod(shape))
    idx = np.arange(n, dtype=np.uint64)
    hi = (idx >> np.uint64(32)).astype(np.uint32)
    lo = (idx & np.uint64(0xFFFFFFFF)).astype(np.uint32)
    y0, y1 = _threefry_core(keypair[0], keypair[1], hi, lo)
    return (y0 ^ y1).reshape(shape)


def _np_split(keypair, num):
    idx = np.arange(num, dtype=np.uint32)
    y0, y1 = _threefry_core(keypair[0], keypair[1], np.zeros(num, np.uint32), idx)
    return np.stack([y0, y1], axis=1)


def _np_uniform(keypair, shape):
    bits = _np_random_bits(keypair, shape)
    f = ((bits >> np.uint32(9)) | np.uint32(0x3F800000)).view(np.float32) - np.float32(1.0)
    return np.maximum(np.float32(0.0), f)


def _np_randint(keypair, shape, minval, maxval):
    kh, kl = _np_split(keypair, 2)
    higher = _np_random_bits(kh, shape).astype(np.uint64)
    lower = _np_random_bits(kl, shape).astype(np.uint64)
    span = np.uint64(maxval - minval)
    mult = np.uint64(np.uint64(2 ** 16) % span)
    mult = np.uint64((mult * mult) % span)
    offset = (((higher % span) * mult + (lower % span)) & np.uint64(0xFFFFFFFF)) % span
    return (np.int32(minval) + offset.astype(np.uint32)).astype(np.int32)


def _precompute_noise():
    k1, k2, k3, k4 = _np_split(np.array([0, 42], dtype=np.uint32), 4)
    noise_mask = _np_uniform(k1, (BATCH, TOTAL)) < np.float32(
        LABEL_NOISE_RATIO * 0.5)
    new_label = _np_randint(k2, (BATCH, TOTAL), 0, NUM_LABELS)
    rand_sign = _np_randint(k3, (BATCH, TOTAL, 4), 0, 2).astype(
        np.float32) * np.float32(2.0) - np.float32(1.0)
    rand_part = _np_uniform(k4, (BATCH, TOTAL, 4))
    neg = ((np.arange(TOTAL) % GROUP) >= MAX_GT).astype(np.float32)
    rp_eff = (rand_part + neg[None, :, None]) * rand_sign
    return (noise_mask.astype(np.int32),
            new_label,
            np.ascontiguousarray(rp_eff.transpose(2, 0, 1)))


_NOISE_MASK_NP, _NEW_LABEL_NP, _RP_EFF_NP = _precompute_noise()


_NC = 2
_NS = 16
_NW = _NC * _NS
_CLS_SPAN = (BATCH * TOTAL) // _NW
_IDX_SPAN = (BATCH * MAX_LEN) // _NW
_L = 16


def _sc_queries_body(lab_hbm, nm_hbm, nl_hbm, cls_hbm, idx_hbm,
                     lab_v, nm_v, nl_v, out_v, idx_v):
    w = lax.axis_index("s") * _NC + lax.axis_index("c")
    wpb = TOTAL // _CLS_SPAN
    b = w // wpb

    pltpu.sync_copy(lab_hbm.at[pl.ds(MAX_GT * b, MAX_GT)], lab_v)
    pltpu.sync_copy(nm_hbm.at[pl.ds(_CLS_SPAN * w, _CLS_SPAN)], nm_v)
    pltpu.sync_copy(nl_hbm.at[pl.ds(_CLS_SPAN * w, _CLS_SPAN)], nl_v)

    for t in range(_CLS_SPAN // _L):
        base_k = (16 * t) % MAX_GT
        labv = lab_v[pl.ds(base_k, _L)]
        nm = nm_v[pl.ds(_L * t, _L)]
        nl = nl_v[pl.ds(_L * t, _L)]
        out_v[pl.ds(_L * t, _L)] = jnp.where(nm != 0, nl, labv)
    pltpu.sync_copy(out_v, cls_hbm.at[pl.ds(_CLS_SPAN * w, _CLS_SPAN)])

    jp0 = _IDX_SPAN * (w % (MAX_LEN // _IDX_SPAN))
    lane = lax.iota(jnp.int32, _L)
    for t in range(_IDX_SPAN // _L):
        g = (jp0 + _L * t) // MAX_GT
        base_k = (_L * t) % MAX_GT
        idx_v[pl.ds(_L * t, _L)] = lane + (g * GROUP + base_k)
    pltpu.sync_copy(idx_v, idx_hbm.at[pl.ds(_IDX_SPAN * w, _IDX_SPAN)])


def _build_sc():
    return functools.partial(
        pl.kernel,
        mesh=plsc.VectorSubcoreMesh(core_axis_name="c", subcore_axis_name="s"),
        out_type=[
            jax.ShapeDtypeStruct((BATCH * TOTAL,), jnp.int32),
            jax.ShapeDtypeStruct((BATCH * MAX_LEN,), jnp.int32),
        ],
        scratch_types=[
            pltpu.VMEM((MAX_GT,), jnp.int32),
            pltpu.VMEM((_CLS_SPAN,), jnp.int32),
            pltpu.VMEM((_CLS_SPAN,), jnp.int32),
            pltpu.VMEM((_CLS_SPAN,), jnp.int32),
            pltpu.VMEM((_IDX_SPAN,), jnp.int32),
        ],
    )(_sc_queries_body)


_SC_QUERIES = _build_sc()


def _fused_kernel(boxes_ref, rp_ref, attn_ref, bbox_ref):
    i = pl.program_id(0)

    c = jax.lax.broadcasted_iota(jnp.int32, (1, TARGET), 1)
    halves = []
    for h in range(_GROUPS_PER_BLOCK):
        g = i * _GROUPS_PER_BLOCK + h
        pattern = (c < TOTAL) & ((g >= NUM_GROUPS) | ((c // GROUP) != g))
        halves.append(jnp.broadcast_to(pattern.astype(jnp.float32),
                                       (GROUP, TARGET)))
    attn_ref[...] = jnp.concatenate(halves, axis=0)

    @pl.when(i == 0)
    def _small_outputs():
        reps = 2 * NUM_GROUPS

        def tiled(coord):
            return jnp.concatenate([boxes_ref[coord]] * reps, axis=1)

        cx, cy, w, h = tiled(0), tiled(1), tiled(2), tiled(3)
        half_w = 0.5 * w
        half_h = 0.5 * h
        corners = (cx - half_w, cy - half_h, cx + half_w, cy + half_h)
        diffs = (half_w * BOX_NOISE_SCALE, half_h * BOX_NOISE_SCALE,
                 half_w * BOX_NOISE_SCALE, half_h * BOX_NOISE_SCALE)
        noisy = [jnp.clip(corners[c] + rp_ref[c] * diffs[c], 0.0, 1.0)
                 for c in range(4)]
        x0, y0, x1, y1 = noisy
        center = ((x0 + x1) * 0.5, (y0 + y1) * 0.5, x1 - x0, y1 - y0)

        eps = 1e-5
        for coord in range(4):
            v = jnp.clip(center[coord], 0.0, 1.0)
            v1 = jnp.maximum(v, eps)
            v2 = jnp.maximum(1.0 - v, eps)
            bbox_ref[coord] = jnp.log(v1 / v2)


def _build(interpret=False):
    zero_map3 = lambda i: (0, 0, 0)
    return pl.pallas_call(
        _fused_kernel,
        grid=(_N_ROW_BLOCKS,),
        in_specs=[
            pl.BlockSpec((4, BATCH, MAX_GT), zero_map3),
            pl.BlockSpec((4, BATCH, TOTAL), zero_map3),
        ],
        out_specs=(
            pl.BlockSpec((_ROW_BLOCK, TARGET), lambda i: (i, 0)),
            pl.BlockSpec((4, BATCH, TOTAL), zero_map3),
        ),
        out_shape=(
            jax.ShapeDtypeStruct((TARGET, TARGET), jnp.float32),
            jax.ShapeDtypeStruct((4, BATCH, TOTAL), jnp.float32),
        ),
        interpret=interpret,
    )


_FUSED_CALL = _build()


def kernel(labels, boxes, num_queries):
    boxes_t = jnp.transpose(boxes, (2, 0, 1))
    noise_mask = jnp.asarray(_NOISE_MASK_NP.reshape(-1))
    new_label = jnp.asarray(_NEW_LABEL_NP.reshape(-1))
    rp_eff = jnp.asarray(_RP_EFF_NP)

    cls_flat, idx_flat = _SC_QUERIES(
        labels.reshape(-1), noise_mask, new_label)
    cls = cls_flat.reshape(BATCH, TOTAL)
    dn_positive_idx = idx_flat.reshape(BATCH, MAX_LEN)

    attn_mask, bbox_t = _FUSED_CALL(boxes_t, rp_eff)
    input_query_bbox = jnp.transpose(bbox_t, (1, 2, 0))

    dn_num_group = jnp.asarray(NUM_GROUPS, dtype=jnp.int32)
    dn_num_split = jnp.stack([
        jnp.asarray(TOTAL, dtype=jnp.int32),
        jnp.asarray(num_queries, dtype=jnp.int32),
    ])
    return (cls, input_query_bbox, attn_mask, dn_positive_idx,
            dn_num_group, dn_num_split)

# --- scband reference (transcript-rebuilt; emitter-appended) ---
"""Pipeline reference for scband-dfine-contrastive-denoising-group-generator-8839042695529 (READ-ONLY COPY).

The authoritative reference and input builder live on the scoring server;
editing this copy changes nothing except your own understanding.
"""

import jax, jax.numpy as jnp
import numpy as np

NUM_LABELS = 80
NUM_DENOISING = 1024
LABEL_NOISE_RATIO = 0.5
BOX_NOISE_SCALE = 1.0
BATCH = 8
MAX_GT = 128
NUM_QUERIES = 300


def center_to_corners_format(b):
    cx, cy, w, h = b[..., 0], b[..., 1], b[..., 2], b[..., 3]
    return jnp.stack([cx - 0.5 * w, cy - 0.5 * h, cx + 0.5 * w, cy + 0.5 * h], axis=-1)


def corners_to_center_format(b):
    x0, y0, x1, y1 = b[..., 0], b[..., 1], b[..., 2], b[..., 3]
    return jnp.stack([(x0 + x1) * 0.5, (y0 + y1) * 0.5, x1 - x0, y1 - y0], axis=-1)


def inverse_sigmoid(x, eps=1e-5):
    x = jnp.clip(x, 0.0, 1.0)
    x1 = jnp.clip(x, eps, None)
    x2 = jnp.clip(1.0 - x, eps, None)
    return jnp.log(x1 / x2)


def setup_inputs(seed: int = 0):
    key = jax.random.key(seed)
    k1, k2 = jax.random.split(key)
    labels = jax.random.randint(k1, (BATCH, MAX_GT), 0, NUM_LABELS, dtype=jnp.int32)
    boxes = jax.random.uniform(k2, (BATCH, MAX_GT, 4), dtype=jnp.float32, minval=0.05, maxval=0.95)
    return {"labels": labels, "boxes": boxes, "num_queries": 300}


def reference(labels, boxes, num_queries):
    B, max_gt = labels.shape
    num_groups = max(1, NUM_DENOISING // max_gt)
    # all samples fully populated: num_gt == max_gt for every batch element
    input_query_class = jnp.tile(labels, (1, 2 * num_groups))
    input_query_bbox = jnp.tile(boxes, (1, 2 * num_groups, 1))
    pad_gt_mask = jnp.ones((B, max_gt * 2 * num_groups), dtype=bool)
    neg = jnp.zeros((B, max_gt * 2, 1), dtype=jnp.float32)
    neg = neg.at[:, max_gt:, :].set(1.0)
    negative_gt_mask = jnp.tile(neg, (1, num_groups, 1))
    positive_gt_mask = (1.0 - negative_gt_mask)[..., 0] * pad_gt_mask.astype(jnp.float32)
    max_len = max_gt * num_groups
    # per-row nonzero of positive mask (stable argsort of negated condition)
    order = jnp.argsort(jnp.where(positive_gt_mask > 0, 0, 1), axis=1)
    dn_positive_idx = order[:, :max_len]
    rkey = jax.random.key(42)
    k1, k2, k3, k4 = jax.random.split(rkey, 4)
    noise_mask = jax.random.uniform(k1, input_query_class.shape, dtype=jnp.float32) < (LABEL_NOISE_RATIO * 0.5)
    new_label = jax.random.randint(k2, input_query_class.shape, 0, NUM_LABELS, dtype=input_query_class.dtype)
    input_query_class = jnp.where(noise_mask & pad_gt_mask, new_label, input_query_class)
    known_bbox = center_to_corners_format(input_query_bbox)
    wh = input_query_bbox[..., 2:]
    diff = jnp.tile(wh, (1, 1, 2)) * 0.5 * BOX_NOISE_SCALE
    rand_sign = jax.random.randint(k3, input_query_bbox.shape, 0, 2).astype(jnp.float32) * 2.0 - 1.0
    rand_part = jax.random.uniform(k4, input_query_bbox.shape, dtype=jnp.float32)
    rand_part = (rand_part + 1.0) * negative_gt_mask + rand_part * (1.0 - negative_gt_mask)
    rand_part = rand_part * rand_sign
    known_bbox = jnp.clip(known_bbox + rand_part * diff, 0.0, 1.0)
    input_query_bbox = corners_to_center_format(known_bbox)
    input_query_bbox = inverse_sigmoid(input_query_bbox)
    num_denoising_total = max_gt * 2 * num_groups
    target_size = num_denoising_total + NUM_QUERIES
    attn_mask = jnp.zeros((target_size, target_size), dtype=jnp.float32)
    attn_mask = attn_mask.at[num_denoising_total:, :num_denoising_total].set(1.0)
    for i in range(num_groups):
        s = max_gt * 2 * i
        e = max_gt * 2 * (i + 1)
        if s > 0:
            attn_mask = attn_mask.at[s:e, :s].set(1.0)
        if num_denoising_total - e > 0:
            attn_mask = attn_mask.at[s:e, e:num_denoising_total].set(1.0)
    dn_num_group = jnp.asarray(num_groups, dtype=jnp.int32)
    dn_num_split = jnp.stack([jnp.asarray(num_denoising_total, dtype=jnp.int32), jnp.asarray(num_queries, dtype=jnp.int32)])
    return (input_query_class, input_query_bbox, attn_mask, dn_positive_idx, dn_num_group, dn_num_split)

if __name__ == "__main__":
    import jax
    _d = setup_inputs()
    print(jax.jit(kernel)(*tuple(_d.values())))

</pallas_src>

<mosaic_0001>
#map = affine_map<(d0, d1) -> (0)>
module attributes {stable_mosaic.version = 14 : i64} {
  func.func @_sc_queries_body(%arg0: i32, %arg1: i32, %arg2: memref<1024xi32, #tpu.memory_space<hbm>>, %arg3: memref<16384xi32, #tpu.memory_space<hbm>>, %arg4: memref<16384xi32, #tpu.memory_space<hbm>>, %arg5: memref<16384xi32, #tpu.memory_space<hbm>>, %arg6: memref<8192xi32, #tpu.memory_space<hbm>>, %arg7: memref<128xi32, #tpu.memory_space<vmem>>, %arg8: memref<512xi32, #tpu.memory_space<vmem>>, %arg9: memref<512xi32, #tpu.memory_space<vmem>>, %arg10: memref<512xi32, #tpu.memory_space<vmem>>, %arg11: memref<256xi32, #tpu.memory_space<vmem>>) attributes {dimension_semantics = [#tpu.dimension_semantics<core_parallel>, #tpu.dimension_semantics<subcore_parallel>], iteration_bounds = array<i64: 2, 16>, scalar_prefetch = 0 : i64, scratch_operands = 5 : i64, tpu.core_type = #tpu.core_type<sc_vector_subcore>, window_params = [{transform_indices = #map}, {transform_indices = #map}, {transform_indices = #map}, {transform_indices = #map}, {transform_indices = #map}]} {
    %mul3A = arith.constant 2 : i32
    %mul3A_0 = arith.muli %arg1, %mul3A : i32
    %add3A = arith.addi %mul3A_0, %arg0 : i32
    %jit3A = arith.constant 4 : i32
    %div3A = arith.divsi %add3A, %jit3A : i32
    %sign3A = arith.constant 0 : i32
    %sign3A_1 = arith.cmpi sgt, %add3A, %sign3A : i32
    %sign3A_2 = arith.extui %sign3A_1 : i1 to i32
    %sign3A_3 = arith.constant 0 : i32
    %sign3A_4 = arith.cmpi slt, %add3A, %sign3A_3 : i32
    %sign3A_5 = arith.extui %sign3A_4 : i1 to i32
    %sign3A_6 = arith.subi %sign3A_2, %sign3A_5 : i32
    %sign3A_7 = arith.constant 0 : i32
    %sign3A_8 = arith.cmpi sgt, %jit3A, %sign3A_7 : i32
    %sign3A_9 = arith.extui %sign3A_8 : i1 to i32
    %sign3A_10 = arith.constant 0 : i32
    %sign3A_11 = arith.cmpi slt, %jit3A, %sign3A_10 : i32
    %sign3A_12 = arith.extui %sign3A_11 : i1 to i32
    %sign3A_13 = arith.subi %sign3A_9, %sign3A_12 : i32
    %ne3A = arith.cmpi ne, %sign3A_6, %sign3A_13 : i32
    %rem3A = arith.remsi %add3A, %jit3A : i32
    %ne3A_14 = arith.constant 0 : i32
    %ne3A_15 = arith.cmpi ne, %rem3A, %ne3A_14 : i32
    %and3A = arith.andi %ne3A, %ne3A_15 : i1
    %sub3A = arith.constant 1 : i32
    %sub3A_16 = arith.subi %div3A, %sub3A : i32
    %select_n3A = arith.select %and3A, %sub3A_16, %div3A : i32
    %mul3A_17 = arith.constant 128 : i32
    %mul3A_18 = arith.muli %mul3A_17, %select_n3A : i32
    "tpu.region"() ({
      %run_scoped3A = tpu.sem_alloc : memref<!tpu.dma_semaphore, #tpu.memory_space<semaphore_mem>>
      %dma_start3A = tpu.memref_slice %arg2[%mul3A_18] : memref<1024xi32, #tpu.memory_space<hbm>> -> memref<128xi32, #tpu.memory_space<hbm>>
      %dma_start3A_1161 = tpu.memref_slice %arg2[%mul3A_18] : memref<1024xi32, #tpu.memory_space<hbm>> -> memref<128xi32, #tpu.memory_space<hbm>>
      tpu.enqueue_dma source(%dma_start3A_1161 : memref<128xi32, #tpu.memory_space<hbm>>) target(%arg7 : memref<128xi32, #tpu.memory_space<vmem>>) target_semaphore(%run_scoped3A : memref<!tpu.dma_semaphore, #tpu.memory_space<semaphore_mem>>)
      %dma_wait3A = tpu.memref_slice %arg2[%mul3A_18] : memref<1024xi32, #tpu.memory_space<hbm>> -> memref<128xi32, #tpu.memory_space<hbm>>
      %dma_wait3A_1162 = tpu.memref_slice %arg2[%mul3A_18] : memref<1024xi32, #tpu.memory_space<hbm>> -> memref<128xi32, #tpu.memory_space<hbm>>
      tpu.wait_dma2 semaphore(%run_scoped3A : memref<!tpu.dma_semaphore, #tpu.memory_space<semaphore_mem>>) src(%dma_wait3A_1162 : memref<128xi32, #tpu.memory_space<hbm>>) dst(%arg7 : memref<128xi32, #tpu.memory_space<vmem>>)
      tpu.yield
    }) : () -> ()
    %mul3A_19 = arith.constant 512 : i32
    %mul3A_20 = arith.muli %mul3A_19, %add3A : i32
    "tpu.region"() ({
      %run_scoped3A = tpu.sem_alloc : memref<!tpu.dma_semaphore, #tpu.memory_space<semaphore_mem>>
      %dma_start3A = tpu.memref_slice %arg3[%mul3A_20] : memref<16384xi32, #tpu.memory_space<hbm>> -> memref<512xi32, #tpu.memory_space<hbm>>
      %dma_start3A_1161 = tpu.memref_slice %arg3[%mul3A_20] : memref<16384xi32, #tpu.memory_space<hbm>> -> memref<512xi32, #tpu.memory_space<hbm>>
      tpu.enqueue_dma source(%dma_start3A_1161 : memref<512xi32, #tpu.memory_space<hbm>>) target(%arg8 : memref<512xi32, #tpu.memory_space<vmem>>) target_semaphore(%run_scoped3A : memref<!tpu.dma_semaphore, #tpu.memory_space<semaphore_mem>>)
      %dma_wait3A = tpu.memref_slice %arg3[%mul3A_20] : memref<16384xi32, #tpu.memory_space<hbm>> -> memref<512xi32, #tpu.memory_space<hbm>>
      %dma_wait3A_1162 = tpu.memref_slice %arg3[%mul3A_20] : memref<16384xi32, #tpu.memory_space<hbm>> -> memref<512xi32, #tpu.memory_space<hbm>>
      tpu.wait_dma2 semaphore(%run_scoped3A : memref<!tpu.dma_semaphore, #tpu.memory_space<semaphore_mem>>) src(%dma_wait3A_1162 : memref<512xi32, #tpu.memory_space<hbm>>) dst(%arg8 : memref<512xi32, #tpu.memory_space<vmem>>)
      tpu.yield
    }) : () -> ()
    %mul3A_21 = arith.constant 512 : i32
    %mul3A_22 = arith.muli %mul3A_21, %add3A : i32
    "tpu.region"() ({
      %run_scoped3A = tpu.sem_alloc : memref<!tpu.dma_semaphore, #tpu.memory_space<semaphore_mem>>
      %dma_start3A = tpu.memref_slice %arg4[%mul3A_22] : memref<16384xi32, #tpu.memory_space<hbm>> -> memref<512xi32, #tpu.memory_space<hbm>>
      %dma_start3A_1161 = tpu.memref_slice %arg4[%mul3A_22] : memref<16384xi32, #tpu.memory_space<hbm>> -> memref<512xi32, #tpu.memory_space<hbm>>
      tpu.enqueue_dma source(%dma_start3A_1161 : memref<512xi32, #tpu.memory_space<hbm>>) target(%arg9 : memref<512xi32, #tpu.memory_space<vmem>>) target_semaphore(%run_scoped3A : memref<!tpu.dma_semaphore, #tpu.memory_space<semaphore_mem>>)
      %dma_wait3A = tpu.memref_slice %arg4[%mul3A_22] : memref<16384xi32, #tpu.memory_space<hbm>> -> memref<512xi32, #tpu.memory_space<hbm>>
      %dma_wait3A_1162 = tpu.memref_slice %arg4[%mul3A_22] : memref<16384xi32, #tpu.memory_space<hbm>> -> memref<512xi32, #tpu.memory_space<hbm>>
      tpu.wait_dma2 semaphore(%run_scoped3A : memref<!tpu.dma_semaphore, #tpu.memory_space<semaphore_mem>>) src(%dma_wait3A_1162 : memref<512xi32, #tpu.memory_space<hbm>>) dst(%arg9 : memref<512xi32, #tpu.memory_space<vmem>>)
      tpu.yield
    }) : () -> ()
    %get3A = arith.constant 0 : index
    %get3A_23 = tpu.vector_load %arg7[%get3A] {strides = array<i32>} : memref<128xi32, #tpu.memory_space<vmem>>, vector<16xi32>,
    %get3A_24 = vector.shape_cast %get3A_23 : vector<16xi32> to vector<16xi32>
    %get3A_25 = arith.constant 0 : index
    %get3A_26 = tpu.vector_load %arg8[%get3A_25] {strides = array<i32>} : memref<512xi32, #tpu.memory_space<vmem>>, vector<16xi32>,
    %get3A_27 = vector.shape_cast %get3A_26 : vector<16xi32> to vector<16xi32>
    %get3A_28 = arith.constant 0 : index
    %get3A_29 = tpu.vector_load %arg9[%get3A_28] {strides = array<i32>} : memref<512xi32, #tpu.memory_space<vmem>>, vector<16xi32>,
    %get3A_30 = vector.shape_cast %get3A_29 : vector<16xi32> to vector<16xi32>
    %ne3A_31 = arith.constant 0 : i32
    %ne3A_32 = vector.broadcast %ne3A_31 : i32 to vector<16xi32>
    %ne3A_33 = arith.cmpi ne, %get3A_27, %ne3A_32 : vector<16xi32>
    %select_n3A_34 = arith.select %ne3A_33, %get3A_30, %get3A_24 : vector<16xi1>, vector<16xi32>
    %swap3A = arith.constant 0 : index
    %swap3A_35 = tpu.vector_load %arg10[%swap3A] {strides = array<i32>} : memref<512xi32, #tpu.memory_space<vmem>>, vector<16xi32>,
    %swap3A_36 = vector.shape_cast %swap3A_35 : vector<16xi32> to vector<16xi32>
    %swap3A_37 = vector.shape_cast %select_n3A_34 : vector<16xi32> to vector<16xi32>
    tpu.vector_store %arg10[%swap3A], %swap3A_37 {strides = array<i32>} : memref<512xi32, #tpu.memory_space<vmem>>, vector<16xi32>,
    %get3A_38 = arith.constant 16 : index
    %get3A_39 = tpu.vector_load %arg7[%get3A_38] {strides = array<i32>} : memref<128xi32, #tpu.memory_space<vmem>>, vector<16xi32>,
    %get3A_40 = vector.shape_cast %get3A_39 : vector<16xi32> to vector<16xi32>
    %get3A_41 = arith.constant 16 : index
    %get3A_42 = tpu.vector_load %arg8[%get3A_41] {strides = array<i32>} : memref<512xi32, #tpu.memory_space<vmem>>, vector<16xi32>,
    %get3A_43 = vector.shape_cast %get3A_42 : vector<16xi32> to vector<16xi32>
    %get3A_44 = arith.constant 16 : index
    %get3A_45 = tpu.vector_load %arg9[%get3A_44] {strides = array<i32>} : memref<512xi32, #tpu.memory_space<vmem>>, vector<16xi32>,
    %get3A_46 = vector.shape_cast %get3A_45 : vector<16xi32> to vector<16xi32>
    %ne3A_47 = arith.constant 0 : i32
    %ne3A_48 = vector.broadcast %ne3A_47 : i32 to vector<16xi32>
    %ne3A_49 = arith.cmpi ne, %get3A_43, %ne3A_48 : vector<16xi32>
    %select_n3A_50 = arith.select %ne3A_49, %get3A_46, %get3A_40 : vector<16xi1>, vector<16xi32>
    %swap3A_51 = arith.constant 16 : index
    %swap3A_52 = tpu.vector_load %arg10[%swap3A_51] {strides = array<i32>} : memref<512xi32, #tpu.memory_space<vmem>>, vector<16xi32>,
    %swap3A_53 = vector.shape_cast %swap3A_52 : vector<16xi32> to vector<16xi32>
    %swap3A_54 = vector.shape_cast %select_n3A_50 : vector<16xi32> to vector<16xi32>
    tpu.vector_store %arg10[%swap3A_51], %swap3A_54 {strides = array<i32>} : memref<512xi32, #tpu.memory_space<vmem>>, vector<16xi32>,
    %get3A_55 = arith.constant 32 : index
    %get3A_56 = tpu.vector_load %arg7[%get3A_55] {strides = array<i32>} : memref<128xi32, #tpu.memory_space<vmem>>, vector<16xi32>,
    %get3A_57 = vector.shape_cast %get3A_56 : vector<16xi32> to vector<16xi32>
    %get3A_58 = arith.constant 32 : index
    %get3A_59 = tpu.vector_load %arg8[%get3A_58] {strides = array<i32>} : memref<512xi32, #tpu.memory_space<vmem>>, vector<16xi32>,
    %get3A_60 = vector.shape_cast %get3A_59 : vector<16xi32> to vector<16xi32>
    %get3A_61 = arith.constant 32 : index
    %get3A_62 = tpu.vector_load %arg9[%get3A_61] {strides = array<i32>} : memref<512xi32, #tpu.memory_space<vmem>>, vector<16xi32>,
    %get3A_63 = vector.shape_cast %get3A_62 : vector<16xi32> to vector<16xi32>
    %ne3A_64 = arith.constant 0 : i32
    %ne3A_65 = vector.broadcast %ne3A_64 : i32 to vector<16xi32>
    %ne3A_66 = arith.cmpi ne, %get3A_60, %ne3A_65 : vector<16xi32>
    %select_n3A_67 = arith.select %ne3A_66, %get3A_63, %get3A_57 : vector<16xi1>, vector<16xi32>
    %swap3A_68 = arith.constant 32 : index
    %swap3A_69 = tpu.vector_load %arg10[%swap3A_68] {strides = array<i32>} : memref<512xi32, #tpu.memory_space<vmem>>, vector<16xi32>,
    %swap3A_70 = vector.shape_cast %swap3A_69 : vector<16xi32> to vector<16xi32>
    %swap3A_71 = vector.shape_cast %select_n3A_67 : vector<16xi32> to vector<16xi32>
    tpu.vector_store %arg10[%swap3A_68], %swap3A_71 {strides = array<i32>} : memref<512xi32, #tpu.memory_space<vmem>>, vector<16xi32>,
    %get3A_72 = arith.constant 48 : index
    %get3A_73 = tpu.vector_load %arg7[%get3A_72] {strides = array<i32>} : memref<128xi32, #tpu.memory_space<vmem>>, vector<16xi32>,
    %get3A_74 = vector.shape_cast %get3A_73 : vector<16xi32> to vector<16xi32>
    %get3A_75 = arith.constant 48 : index
    %get3A_76 = tpu.vector_load %arg8[%get3A_75] {strides = array<i32>} : memref<512xi32, #tpu.memory_space<vmem>>, vector<16xi32>,
    %get3A_77 = vector.shape_cast %get3A_76 : vector<16xi32> to vector<16xi32>
    %get3A_78 = arith.constant 48 : index
    %get3A_79 = tpu.vector_load %arg9[%get3A_78] {strides = array<i32>} : memref<512xi32, #tpu.memory_space<vmem>>, vector<16xi32>,
    %get3A_80 = vector.shape_cast %get3A_79 : vector<16xi32> to vector<16xi32>
    %ne3A_81 = arith.constant 0 : i32
    %ne3A_82 = vector.broadcast %ne3A_81 : i32 to vector<16xi32>
    %ne3A_83 = arith.cmpi ne, %get3A_77, %ne3A_82 : vector<16xi32>
    %select_n3A_84 = arith.select %ne3A_83, %get3A_80, %get3A_74 : vector<16xi1>, vector<16xi32>
    %swap3A_85 = arith.constant 48 : index
    %swap3A_86 = tpu.vector_load %arg10[%swap3A_85] {strides = array<i32>} : memref<512xi32, #tpu.memory_space<vmem>>, vector<16xi32>,
    %swap3A_87 = vector.shape_cast %swap3A_86 : vector<16xi32> to vector<16xi32>
    %swap3A_88 = vector.shape_cast %select_n3A_84 : vector<16xi32> to vector<16xi32>
    tpu.vector_store %arg10[%swap3A_85], %swap3A_88 {strides = array<i32>} : memref<512xi32, #tpu.memory_space<vmem>>, vector<16xi32>,
    %get3A_89 = arith.constant 64 : index
    %get3A_90 = tpu.vector_load %arg7[%get3A_89] {strides = array<i32>} : memref<128xi32, #tpu.memory_space<vmem>>, vector<16xi32>,
    %get3A_91 = vector.shape_cast %get3A_90 : vector<16xi32> to vector<16xi32>
    %get3A_92 = arith.constant 64 : index
    %get3A_93 = tpu.vector_load %arg8[%get3A_92] {strides = array<i32>} : memref<512xi32, #tpu.memory_space<vmem>>, vector<16xi32>,
    %get3A_94 = vector.shape_cast %get3A_93 : vector<16xi32> to vector<16xi32>
    %get3A_95 = arith.constant 64 : index
    %get3A_96 = tpu.vector_load %arg9[%get3A_95] {strides = array<i32>} : memref<512xi32, #tpu.memory_space<vmem>>, vector<16xi32>,
    %get3A_97 = vector.shape_cast %get3A_96 : vector<16xi32> to vector<16xi32>
    %ne3A_98 = arith.constant 0 : i32
    %ne3A_99 = vector.broadcast %ne3A_98 : i32 to vector<16xi32>
    %ne3A_100 = arith.cmpi ne, %get3A_94, %ne3A_99 : vector<16xi32>
    %select_n3A_101 = arith.select %ne3A_100, %get3A_97, %get3A_91 : vector<16xi1>, vector<16xi32>
    %swap3A_102 = arith.constant 64 : index
    %swap3A_103 = tpu.vector_load %arg10[%swap3A_102] {strides = array<i32>} : memref<512xi32, #tpu.memory_space<vmem>>, vector<16xi32>,
    %swap3A_104 = vector.shape_cast %swap3A_103 : vector<16xi32> to vector<16xi32>
    %swap3A_105 = vector.shape_cast %select_n3A_101 : vector<16xi32> to vector<16xi32>
    tpu.vector_store %arg10[%swap3A_102], %swap3A_105 {strides = array<i32>} : memref<512xi32, #tpu.memory_space<vmem>>, vector<16xi32>,
    %get3A_106 = arith.constant 80 : index
    %get3A_107 = tpu.vector_load %arg7[%get3A_106] {strides = array<i32>} : memref<128xi32, #tpu.memory_space<vmem>>, vector<16xi32>,
    %get3A_108 = vector.shape_cast %get3A_107 : vector<16xi32> to vector<16xi32>
    %get3A_109 = arith.constant 80 : index
    %get3A_110 = tpu.vector_load %arg8[%get3A_109] {strides = array<i32>} : memref<512xi32, #tpu.memory_space<vmem>>, vector<16xi32>,
    %get3A_111 = vector.shape_cast %get3A_110 : vector<16xi32> to vector<16xi32>
    %get3A_112 = arith.constant 80 : index
    %get3A_113 = tpu.vector_load %arg9[%get3A_112] {strides = array<i32>} : memref<512xi32, #tpu.memory_space<vmem>>, vector<16xi32>,
    %get3A_114 = vector.shape_cast %get3A_113 : vector<16xi32> to vector<16xi32>
    %ne3A_115 = arith.constant 0 : i32
    %ne3A_116 = vector.broadcast %ne3A_115 : i32 to vector<16xi32>
    %ne3A_117 = arith.cmpi ne, %get3A_111, %ne3A_116 : vector<16xi32>
    %select_n3A_118 = arith.select %ne3A_117, %get3A_114, %get3A_108 : vector<16xi1>, vector<16xi32>
    %swap3A_119 = arith.constant 80 : index
    %swap3A_120 = tpu.vector_load %arg10[%swap3A_119] {strides = array<i32>} : memref<512xi32, #tpu.memory_space<vmem>>, vector<16xi32>,
    %swap3A_121 = vector.shape_cast %swap3A_120 : vector<16xi32> to vector<16xi32>
    %swap3A_122 = vector.shape_cast %select_n3A_118 : vector<16xi32> to vector<16xi32>
    tpu.vector_store %arg10[%swap3A_119], %swap3A_122 {strides = array<i32>} : memref<512xi32, #tpu.memory_space<vmem>>, vector<16xi32>,
    %get3A_123 = arith.constant 96 : index
    %get3A_124 = tpu.vector_load %arg7[%get3A_123] {strides = array<i32>} : memref<128xi32, #tpu.memory_space<vmem>>, vector<16xi32>,
    %get3A_125 = vector.shape_cast %get3A_124 : vector<16xi32> to vector<16xi32>
    %get3A_126 = arith.constant 96 : index
    %get3A_127 = tpu.vector_load %arg8[%get3A_126] {strides = array<i32>} : memref<512xi32, #tpu.memory_space<vmem>>, vector<16xi32>,
    %get3A_128 = vector.shape_cast %get3A_127 : vector<16xi32> to vector<16xi32>
    %get3A_129 = arith.constant 96 : index
    %get3A_130 = tpu.vector_load %arg9[%get3A_129] {strides = array<i32>} : memref<512xi32, #tpu.memory_space<vmem>>, vector<16xi32>,
    %get3A_131 = vector.shape_cast %get3A_130 : vector<16xi32> to vector<16xi32>
    %ne3A_132 = arith.constant 0 : i32
    %ne3A_133 = vector.broadcast %ne3A_132 : i32 to vector<16xi32>
    %ne3A_134 = arith.cmpi ne, %get3A_128, %ne3A_133 : vector<16xi32>
    %select_n3A_135 = arith.select %ne3A_134, %get3A_131, %get3A_125 : vector<16xi1>, vector<16xi32>
    %swap3A_136 = arith.constant 96 : index
    %swap3A_137 = tpu.vector_load %arg10[%swap3A_136] {strides = array<i32>} : memref<512xi32, #tpu.memory_space<vmem>>, vector<16xi32>,
    %swap3A_138 = vector.shape_cast %swap3A_137 : vector<16xi32> to vector<16xi32>
    %swap3A_139 = vector.shape_cast %select_n3A_135 : vector<16xi32> to vector<16xi32>
    tpu.vector_store %arg10[%swap3A_136], %swap3A_139 {strides = array<i32>} : memref<512xi32, #tpu.memory_space<vmem>>, vector<16xi32>,
    %get3A_140 = arith.constant 112 : index
    %get3A_141 = tpu.vector_load %arg7[%get3A_140] {strides = array<i32>} : memref<128xi32, #tpu.memory_space<vmem>>, vector<16xi32>,
    %get3A_142 = vector.shape_cast %get3A_141 : vector<16xi32> to vector<16xi32>
    %get3A_143 = arith.constant 112 : index
    %get3A_144 = tpu.vector_load %arg8[%get3A_143] {strides = array<i32>} : memref<512xi32, #tpu.memory_space<vmem>>, vector<16xi32>,
    %get3A_145 = vector.shape_cast %get3A_144 : vector<16xi32> to vector<16xi32>
    %get3A_146 = arith.constant 112 : index
    %get3A_147 = tpu.vector_load %arg9[%get3A_146] {strides = array<i32>} : memref<512xi32, #tpu.memory_space<vmem>>, vector<16xi32>,
    %get3A_148 = vector.shape_cast %get3A_147 : vector<16xi32> to vector<16xi32>
    %ne3A_149 = arith.constant 0 : i32
    %ne3A_150 = vector.broadcast %ne3A_149 : i32 to vector<16xi32>
    %ne3A_151 = arith.cmpi ne, %get3A_145, %ne3A_150 : vector<16xi32>
    %select_n3A_152 = arith.select %ne3A_151, %get3A_148, %get3A_142 : vector<16xi1>, vector<16xi32>
    %swap3A_153 = arith.constant 112 : index
    %swap3A_154 = tpu.vector_load %arg10[%swap3A_153] {strides = array<i32>} : memref<512xi32, #tpu.memory_space<vmem>>, vector<16xi32>,
    %swap3A_155 = vector.shape_cast %swap3A_154 : vector<16xi32> to vector<16xi32>
    %swap3A_156 = vector.shape_cast %select_n3A_152 : vector<16xi32> to vector<16xi32>
    tpu.vector_store %arg10[%swap3A_153], %swap3A_156 {strides = array<i32>} : memref<512xi32, #tpu.memory_space<vmem>>, vector<16xi32>,
    %get3A_157 = arith.constant 0 : index
    %get3A_158 = tpu.vector_load %arg7[%get3A_157] {strides = array<i32>} : memref<128xi32, #tpu.memory_space<vmem>>, vector<16xi32>,
    %get3A_159 = vector.shape_cast %get3A_158 : vector<16xi32> to vector<16xi32>
    %get3A_160 = arith.constant 128 : index
    %get3A_161 = tpu.vector_load %arg8[%get3A_160] {strides = array<i32>} : memref<512xi32, #tpu.memory_space<vmem>>, vector<16xi32>,
    %get3A_162 = vector.shape_cast %get3A_161 : vector<16xi32> to vector<16xi32>
    %get3A_163 = arith.constant 128 : index
    %get3A_164 = tpu.vector_load %arg9[%get3A_163] {strides = array<i32>} : memref<512xi32, #tpu.memory_space<vmem>>, vector<16xi32>,
    %get3A_165 = vector.shape_cast %get3A_164 : vector<16xi32> to vector<16xi32>
    %ne3A_166 = arith.constant 0 : i32
    %ne3A_167 = vector.broadcast %ne3A_166 : i32 to vector<16xi32>
    %ne3A_168 = arith.cmpi ne, %get3A_162, %ne3A_167 : vector<16xi32>
    %select_n3A_169 = arith.select %ne3A_168, %get3A_165, %get3A_159 : vector<16xi1>, vector<16xi32>
    %swap3A_170 = arith.constant 128 : index
    %swap3A_171 = tpu.vector_load %arg10[%swap3A_170] {strides = array<i32>} : memref<512xi32, #tpu.memory_space<vmem>>, vector<16xi32>,
    %swap3A_172 = vector.shape_cast %swap3A_171 : vector<16xi32> to vector<16xi32>
    %swap3A_173 = vector.shape_cast %select_n3A_169 : vector<16xi32> to vector<16xi32>
    tpu.vector_store %arg10[%swap3A_170], %swap3A_173 {strides = array<i32>} : memref<512xi32, #tpu.memory_space<vmem>>, vector<16xi32>,
    %get3A_174 = arith.constant 16 : index
    %get3A_175 = tpu.vector_load %arg7[%get3A_174] {strides = array<i32>} : memref<128xi32, #tpu.memory_space<vmem>>, vector<16xi32>,
    %get3A_176 = vector.shape_cast %get3A_175 : vector<16xi32> to vector<16xi32>
    %get3A_177 = arith.constant 144 : index
    %get3A_178 = tpu.vector_load %arg8[%get3A_177] {strides = array<i32>} : memref<512xi32, #tpu.memory_space<vmem>>, vector<16xi32>,
    %get3A_179 = vector.shape_cast %get3A_178 : vector<16xi32> to vector<16xi32>
    %get3A_180 = arith.constant 144 : index
    %get3A_181 = tpu.vector_load %arg9[%get3A_180] {strides = array<i32>} : memref<512xi32, #tpu.memory_space<vmem>>, vector<16xi32>,
    %get3A_182 = vector.shape_cast %get3A_181 : vector<16xi32> to vector<16xi32>
    %ne3A_183 = arith.constant 0 : i32
    %ne3A_184 = vector.broadcast %ne3A_183 : i32 to vector<16xi32>
    %ne3A_185 = arith.cmpi ne, %get3A_179, %ne3A_184 : vector<16xi32>
    %select_n3A_186 = arith.select %ne3A_185, %get3A_182, %get3A_176 : vector<16xi1>, vector<16xi32>
    %swap3A_187 = arith.constant 144 : index
    %swap3A_188 = tpu.vector_load %arg10[%swap3A_187] {strides = array<i32>} : memref<512xi32, #tpu.memory_space<vmem>>, vector<16xi32>,
    %swap3A_189 = vector.shape_cast %swap3A_188 : vector<16xi32> to vector<16xi32>
    %swap3A_190 = vector.shape_cast %select_n3A_186 : vector<16xi32> to vector<16xi32>
    tpu.vector_store %arg10[%swap3A_187], %swap3A_190 {strides = array<i32>} : memref<512xi32, #tpu.memory_space<vmem>>, vector<16xi32>,
    %get3A_191 = arith.constant 32 : index
    %get3A_192 = tpu.vector_load %arg7[%get3A_191] {strides = array<i32>} : memref<128xi32, #tpu.memory_space<vmem>>, vector<16xi32>,
    %get3A_193 = vector.shape_cast %get3A_192 : vector<16xi32> to vector<16xi32>
    %get3A_194 = arith.constant 160 : index
    %get3A_195 = tpu.vector_load %arg8[%get3A_194] {strides = array<i32>} : memref<512xi32, #tpu.memory_space<vmem>>, vector<16xi32>,
    %get3A_196 = vector.shape_cast %get3A_195 : vector<16xi32> to vector<16xi32>
    %get3A_197 = arith.constant 160 : index
    %get3A_198 = tpu.vector_load %arg9[%get3A_197] {strides = array<i32>} : memref<512xi32, #tpu.memory_space<vmem>>, vector<16xi32>,
    %get3A_199 = vector.shape_cast %get3A_198 : vector<16xi32> to vector<16xi32>
    %ne3A_200 = arith.constant 0 : i32
    %ne3A_201 = vector.broadcast %ne3A_200 : i32 to vector<16xi32>
    %ne3A_202 = arith.cmpi ne, %get3A_196, %ne3A_201 : vector<16xi32>
    %select_n3A_203 = arith.select %ne3A_202, %get3A_199, %get3A_193 : vector<16xi1>, vector<16xi32>
    %swap3A_204 = arith.constant 160 : index
    %swap3A_205 = tpu.vector_load %arg10[%swap3A_204] {strides = array<i32>} : memref<512xi32, #tpu.memory_space<vmem>>, vector<16xi32>,
    %swap3A_206 = vector.shape_cast %swap3A_205 : vector<16xi32> to vector<16xi32>
    %swap3A_207 = vector.shape_cast %select_n3A_203 : vector<16xi32> to vector<16xi32>
    tpu.vector_store %arg10[%swap3A_204], %swap3A_207 {strides = array<i32>} : memref<512xi32, #tpu.memory_space<vmem>>, vector<16xi32>,
    %get3A_208 = arith.constant 48 : index
    %get3A_209 = tpu.vector_load %arg7[%get3A_208] {strides = array<i32>} : memref<128xi32, #tpu.memory_space<vmem>>, vector<16xi32>,
    %get3A_210 = vector.shape_cast %get3A_209 : vector<16xi32> to vector<16xi32>
    %get3A_211 = arith.constant 176 : index
    %get3A_212 = tpu.vector_load %arg8[%get3A_211] {strides = array<i32>} : memref<512xi32, #tpu.memory_space<vmem>>, vector<16xi32>,
    %get3A_213 = vector.shape_cast %get3A_212 : vector<16xi32> to vector<16xi32>
    %get3A_214 = arith.constant 176 : index
    %get3A_215 = tpu.vector_load %arg9[%get3A_214] {strides = array<i32>} : memref<512xi32, #tpu.memory_space<vmem>>, vector<16xi32>,
    %get3A_216 = vector.shape_cast %get3A_215 : vector<16xi32> to vector<16xi32>
    %ne3A_217 = arith.constant 0 : i32
    %ne3A_218 = vector.broadcast %ne3A_217 : i32 to vector<16xi32>
    %ne3A_219 = arith.cmpi ne, %get3A_213, %ne3A_218 : vector<16xi32>
    %select_n3A_220 = arith.select %ne3A_219, %get3A_216, %get3A_210 : vector<16xi1>, vector<16xi32>
    %swap3A_221 = arith.constant 176 : index
    %swap3A_222 = tpu.vector_load %arg10[%swap3A_221] {strides = array<i32>} : memref<512xi32, #tpu.memory_space<vmem>>, vector<16xi32>,
    %swap3A_223 = vector.shape_cast %swap3A_222 : vector<16xi32> to vector<16xi32>
    %swap3A_224 = vector.shape_cast %select_n3A_220 : vector<16xi32> to vector<16xi32>
    tpu.vector_store %arg10[%swap3A_221], %swap3A_224 {strides = array<i32>} : memref<512xi32, #tpu.memory_space<vmem>>, vector<16xi32>,
    %get3A_225 = arith.constant 64 : index
    %get3A_226 = tpu.vector_load %arg7[%get3A_225] {strides = array<i32>} : memref<128xi32, #tpu.memory_space<vmem>>, vector<16xi32>,
    %get3A_227 = vector.shape_cast %get3A_226 : vector<16xi32> to vector<16xi32>
    %get3A_228 = arith.constant 192 : index
    %get3A_229 = tpu.vector_load %arg8[%get3A_228] {strides = array<i32>} : memref<512xi32, #tpu.memory_space<vmem>>, vector<16xi32>,
    %get3A_230 = vector.shape_cast %get3A_229 : vector<16xi32> to vector<16xi32>
    %get3A_231 = arith.constant 192 : index
    %get3A_232 = tpu.vector_load %arg9[%get3A_231] {strides = array<i32>} : memref<512xi32, #tpu.memory_space<vmem>>, vector<16xi32>,
    %get3A_233 = vector.shape_cast %get3A_232 : vector<16xi32> to vector<16xi32>
    %ne3A_234 = arith.constant 0 : i32
    %ne3A_235 = vector.broadcast %ne3A_234 : i32 to vector<16xi32>
    %ne3A_236 = arith.cmpi ne, %get3A_230, %ne3A_235 : vector<16xi32>
    %select_n3A_237 = arith.select %ne3A_236, %get3A_233, %get3A_227 : vector<16xi1>, vector<16xi32>
    %swap3A_238 = arith.constant 192 : index
    %swap3A_239 = tpu.vector_load %arg10[%swap3A_238] {strides = array<i32>} : memref<512xi32, #tpu.memory_space<vmem>>, vector<16xi32>,
    %swap3A_240 = vector.shape_cast %swap3A_239 : vector<16xi32> to vector<16xi32>
    %swap3A_241 = vector.shape_cast %select_n3A_237 : vector<16xi32> to vector<16xi32>
    tpu.vector_store %arg10[%swap3A_238], %swap3A_241 {strides = array<i32>} : memref<512xi32, #tpu.memory_space<vmem>>, vector<16xi32>,
    %get3A_242 = arith.constant 80 : index
    %get3A_243 = tpu.vector_load %arg7[%get3A_242] {strides = array<i32>} : memref<128xi32, #tpu.memory_space<vmem>>, vector<16xi32>,
    %get3A_244 = vector.shape_cast %get3A_243 : vector<16xi32> to vector<16xi32>
    %get3A_245 = arith.constant 208 : index
    %get3A_246 = tpu.vector_load %arg8[%get3A_245] {strides = array<i32>} : memref<512xi32, #tpu.memory_space<vmem>>, vector<16xi32>,
    %get3A_247 = vector.shape_cast %get3A_246 : vector<16xi32> to vector<16xi32>
    %get3A_248 = arith.constant 208 : index
    %get3A_249 = tpu.vector_load %arg9[%get3A_248] {strides = array<i32>} : memref<512xi32, #tpu.memory_space<vmem>>, vector<16xi32>,
    %get3A_250 = vector.shape_cast %get3A_249 : vector<16xi32> to vector<16xi32>
    %ne3A_251 = arith.constant 0 : i32
    %ne3A_252 = vector.broadcast %ne3A_251 : i32 to vector<16xi32>
    %ne3A_253 = arith.cmpi ne, %get3A_247, %ne3A_252 : vector<16xi32>
    %select_n3A_254 = arith.select %ne3A_253, %get3A_250, %get3A_244 : vector<16xi1>, vector<16xi32>
    %swap3A_255 = arith.constant 208 : index
    %swap3A_256 = tpu.vector_load %arg10[%swap3A_255] {strides = array<i32>} : memref<512xi32, #tpu.memory_space<vmem>>, vector<16xi32>,
    %swap3A_257 = vector.shape_cast %swap3A_256 : vector<16xi32> to vector<16xi32>
    %swap3A_258 = vector.shape_cast %select_n3A_254 : vector<16xi32> to vector<16xi32>
    tpu.vector_store %arg10[%swap3A_255], %swap3A_258 {strides = array<i32>} : memref<512xi32, #tpu.memory_space<vmem>>, vector<16xi32>,
    %get3A_259 = arith.constant 96 : index
    %get3A_260 = tpu.vector_load %arg7[%get3A_259] {strides = array<i32>} : memref<128xi32, #tpu.memory_space<vmem>>, vector<16xi32>,
    %get3A_261 = vector.shape_cast %get3A_260 : vector<16xi32> to vector<16xi32>
    %get3A_262 = arith.constant 224 : index
    %get3A_263 = tpu.vector_load %arg8[%get3A_262] {strides = array<i32>} : memref<512xi32, #tpu.memory_space<vmem>>, vector<16xi32>,
    %get3A_264 = vector.shape_cast %get3A_263 : vector<16xi32> to vector<16xi32>
    %get3A_265 = arith.constant 224 : index
    %get3A_266 = tpu.vector_load %arg9[%get3A_265] {strides = array<i32>} : memref<512xi32, #tpu.memory_space<vmem>>, vector<16xi32>,
    %get3A_267 = vector.shape_cast %get3A_266 : vector<16xi32> to vector<16xi32>
    %ne3A_268 = arith.constant 0 : i32
    %ne3A_269 = vector.broadcast %ne3A_268 : i32 to vector<16xi32>
    %ne3A_270 = arith.cmpi ne, %get3A_264, %ne3A_269 : vector<16xi32>
    %select_n3A_271 = arith.select %ne3A_270, %get3A_267, %get3A_261 : vector<16xi1>, vector<16xi32>
    %swap3A_272 = arith.constant 224 : index
    %swap3A_273 = tpu.vector_load %arg10[%swap3A_272] {strides = array<i32>} : memref<512xi32, #tpu.memory_space<vmem>>, vector<16xi32>,
    %swap3A_274 = vector.shape_cast %swap3A_273 : vector<16xi32> to vector<16xi32>
    %swap3A_275 = vector.shape_cast %select_n3A_271 : vector<16xi32> to vector<16xi32>
    tpu.vector_store %arg10[%swap3A_272], %swap3A_275 {strides = array<i32>} : memref<512xi32, #tpu.memory_space<vmem>>, vector<16xi32>,
    %get3A_276 = arith.constant 112 : index
    %get3A_277 = tpu.vector_load %arg7[%get3A_276] {strides = array<i32>} : memref<128xi32, #tpu.memory_space<vmem>>, vector<16xi32>,
    %get3A_278 = vector.shape_cast %get3A_277 : vector<16xi32> to vector<16xi32>
    %get3A_279 = arith.constant 240 : index
    %get3A_280 = tpu.vector_load %arg8[%get3A_279] {strides = array<i32>} : memref<512xi32, #tpu.memory_space<vmem>>, vector<16xi32>,
    %get3A_281 = vector.shape_cast %get3A_280 : vector<16xi32> to vector<16xi32>
    %get3A_282 = arith.constant 240 : index
    %get3A_283 = tpu.vector_load %arg9[%get3A_282] {strides = array<i32>} : memref<512xi32, #tpu.memory_space<vmem>>, vector<16xi32>,
    %get3A_284 = vector.shape_cast %get3A_283 : vector<16xi32> to vector<16xi32>
    %ne3A_285 = arith.constant 0 : i32
    %ne3A_286 = vector.broadcast %ne3A_285 : i32 to vector<16xi32>
    %ne3A_287 = arith.cmpi ne, %get3A_281, %ne3A_286 : vector<16xi32>
    %select_n3A_288 = arith.select %ne3A_287, %get3A_284, %get3A_278 : vector<16xi1>, vector<16xi32>
    %swap3A_289 = arith.constant 240 : index
    %swap3A_290 = tpu.vector_load %arg10[%swap3A_289] {strides = array<i32>} : memref<512xi32, #tpu.memory_space<vmem>>, vector<16xi32>,
    %swap3A_291 = vector.shape_cast %swap3A_290 : vector<16xi32> to vector<16xi32>
    %swap3A_292 = vector.shape_cast %select_n3A_288 : vector<16xi32> to vector<16xi32>
    tpu.vector_store %arg10[%swap3A_289], %swap3A_292 {strides = array<i32>} : memref<512xi32, #tpu.memory_space<vmem>>, vector<16xi32>,
    %get3A_293 = arith.constant 0 : index
    %get3A_294 = tpu.vector_load %arg7[%get3A_293] {strides = array<i32>} : memref<128xi32, #tpu.memory_space<vmem>>, vector<16xi32>,
    %get3A_295 = vector.shape_cast %get3A_294 : vector<16xi32> to vector<16xi32>
    %get3A_296 = arith.constant 256 : index
    %get3A_297 = tpu.vector_load %arg8[%get3A_296] {strides = array<i32>} : memref<512xi32, #tpu.memory_space<vmem>>, vector<16xi32>,
    %get3A_298 = vector.shape_cast %get3A_297 : vector<16xi32> to vector<16xi32>
    %get3A_299 = arith.constant 256 : index
    %get3A_300 = tpu.vector_load %arg9[%get3A_299] {strides = array<i32>} : memref<512xi32, #tpu.memory_space<vmem>>, vector<16xi32>,
    %get3A_301 = vector.shape_cast %get3A_300 : vector<16xi32> to vector<16xi32>
    %ne3A_302 = arith.constant 0 : i32
    %ne3A_303 = vector.broadcast %ne3A_302 : i32 to vector<16xi32>
    %ne3A_304 = arith.cmpi ne, %get3A_298, %ne3A_303 : vector<16xi32>
    %select_n3A_305 = arith.select %ne3A_304, %get3A_301, %get3A_295 : vector<16xi1>, vector<16xi32>
    %swap3A_306 = arith.constant 256 : index
    %swap3A_307 = tpu.vector_load %arg10[%swap3A_306] {strides = array<i32>} : memref<512xi32, #tpu.memory_space<vmem>>, vector<16xi32>,
    %swap3A_308 = vector.shape_cast %swap3A_307 : vector<16xi32> to vector<16xi32>
    %swap3A_309 = vector.shape_cast %select_n3A_305 : vector<16xi32> to vector<16xi32>
    tpu.vector_store %arg10[%swap3A_306], %swap3A_309 {strides = array<i32>} : memref<512xi32, #tpu.memory_space<vmem>>, vector<16xi32>,
    %get3A_310 = arith.constant 16 : index
    %get3A_311 = tpu.vector_load %arg7[%get3A_310] {strides = array<i32>} : memref<128xi32, #tpu.memory_space<vmem>>, vector<16xi32>,
    %get3A_312 = vector.shape_cast %get3A_311 : vector<16xi32> to vector<16xi32>
    %get3A_313 = arith.constant 272 : index
    %get3A_314 = tpu.vector_load %arg8[%get3A_313] {strides = array<i32>} : memref<512xi32, #tpu.memory_space<vmem>>, vector<16xi32>,
    %get3A_315 = vector.shape_cast %get3A_314 : vector<16xi32> to vector<16xi32>
    %get3A_316 = arith.constant 272 : index
    %get3A_317 = tpu.vector_load %arg9[%get3A_316] {strides = array<i32>} : memref<512xi32, #tpu.memory_space<vmem>>, vector<16xi32>,
    %get3A_318 = vector.shape_cast %get3A_317 : vector<16xi32> to vector<16xi32>
    %ne3A_319 = arith.constant 0 : i32
    %ne3A_320 = vector.broadcast %ne3A_319 : i32 to vector<16xi32>
    %ne3A_321 = arith.cmpi ne, %get3A_315, %ne3A_320 : vector<16xi32>
    %select_n3A_322 = arith.select %ne3A_321, %get3A_318, %get3A_312 : vector<16xi1>, vector<16xi32>
    %swap3A_323 = arith.constant 272 : index
    %swap3A_324 = tpu.vector_load %arg10[%swap3A_323] {strides = array<i32>} : memref<512xi32, #tpu.memory_space<vmem>>, vector<16xi32>,
    %swap3A_325 = vector.shape_cast %swap3A_324 : vector<16xi32> to vector<16xi32>
    %swap3A_326 = vector.shape_cast %select_n3A_322 : vector<16xi32> to vector<16xi32>
    tpu.vector_store %arg10[%swap3A_323], %swap3A_326 {strides = array<i32>} : memref<512xi32, #tpu.memory_space<vmem>>, vector<16xi32>,
    %get3A_327 = arith.constant 32 : index
    %get3A_328 = tpu.vector_load %arg7[%get3A_327] {strides = array<i32>} : memref<128xi32, #tpu.memory_space<vmem>>, vector<16xi32>,
    %get3A_329 = vector.shape_cast %get3A_328 : vector<16xi32> to vector<16xi32>
    %get3A_330 = arith.constant 288 : index
    %get3A_331 = tpu.vector_load %arg8[%get3A_330] {strides = array<i32>} : memref<512xi32, #tpu.memory_space<vmem>>, vector<16xi32>,
    %get3A_332 = vector.shape_cast %get3A_331 : vector<16xi32> to vector<16xi32>
    %get3A_333 = arith.constant 288 : index
    %get3A_334 = tpu.vector_load %arg9[%get3A_333] {strides = array<i32>} : memref<512xi32, #tpu.memory_space<vmem>>, vector<16xi32>,
    %get3A_335 = vector.shape_cast %get3A_334 : vector<16xi32> to vector<16xi32>
    %ne3A_336 = arith.constant 0 : i32
    %ne3A_337 = vector.broadcast %ne3A_336 : i32 to vector<16xi32>
    %ne3A_338 = arith.cmpi ne, %get3A_332, %ne3A_337 : vector<16xi32>
    %select_n3A_339 = arith.select %ne3A_338, %get3A_335, %get3A_329 : vector<16xi1>, vector<16xi32>
    %swap3A_340 = arith.constant 288 : index
    %swap3A_341 = tpu.vector_load %arg10[%swap3A_340] {strides = array<i32>} : memref<512xi32, #tpu.memory_space<vmem>>, vector<16xi32>,
    %swap3A_342 = vector.shape_cast %swap3A_341 : vector<16xi32> to vector<16xi32>
    %swap3A_343 = vector.shape_cast %select_n3A_339 : vector<16xi32> to vector<16xi32>
    tpu.vector_store %arg10[%swap3A_340], %swap3A_343 {strides = array<i32>} : memref<512xi32, #tpu.memory_space<vmem>>, vector<16xi32>,
    %get3A_344 = arith.constant 48 : index
    %get3A_345 = tpu.vector_load %arg7[%get3A_344] {strides = array<i32>} : memref<128xi32, #tpu.memory_space<vmem>>, vector<16xi32>,
    %get3A_346 = vector.shape_cast %get3A_345 : vector<16xi32> to vector<16xi32>
    %get3A_347 = arith.constant 304 : index
    %get3A_348 = tpu.vector_load %arg8[%get3A_347] {strides = array<i32>} : memref<512xi32, #tpu.memory_space<vmem>>, vector<16xi32>,
    %get3A_349 = vector.shape_cast %get3A_348 : vector<16xi32> to vector<16xi32>
    %get3A_350 = arith.constant 304 : index
    %get3A_351 = tpu.vector_load %arg9[%get3A_350] {strides = array<i32>} : memref<512xi32, #tpu.memory_space<vmem>>, vector<16xi32>,
    %get3A_352 = vector.shape_cast %get3A_351 : vector<16xi32> to vector<16xi32>
    %ne3A_353 = arith.constant 0 : i32
    %ne3A_354 = vector.broadcast %ne3A_353 : i32 to vector<16xi32>
    %ne3A_355 = arith.cmpi ne, %get3A_349, %ne3A_354 : vector<16xi32>
    %select_n3A_356 = arith.select %ne3A_355, %get3A_352, %get3A_346 : vector<16xi1>, vector<16xi32>
    %swap3A_357 = arith.constant 304 : index
    %swap3A_358 = tpu.vector_load %arg10[%swap3A_357] {strides = array<i32>} : memref<512xi32, #tpu.memory_space<vmem>>, vector<16xi32>,
    %swap3A_359 = vector.shape_cast %swap3A_358 : vector<16xi32> to vector<16xi32>
    %swap3A_360 = vector.shape_cast %select_n3A_356 : vector<16xi32> to vector<16xi32>
    tpu.vector_store %arg10[%swap3A_357], %swap3A_360 {strides = array<i32>} : memref<512xi32, #tpu.memory_space<vmem>>, vector<16xi32>,
    %get3A_361 = arith.constant 64 : index
    %get3A_362 = tpu.vector_load %arg7[%get3A_361] {strides = array<i32>} : memref<128xi32, #tpu.memory_space<vmem>>, vector<16xi32>,
    %get3A_363 = vector.shape_cast %get3A_362 : vector<16xi32> to vector<16xi32>
    %get3A_364 = arith.constant 320 : index
    %get3A_365 = tpu.vector_load %arg8[%get3A_364] {strides = array<i32>} : memref<512xi32, #tpu.memory_space<vmem>>, vector<16xi32>,
    %get3A_366 = vector.shape_cast %get3A_365 : vector<16xi32> to vector<16xi32>
    %get3A_367 = arith.constant 320 : index
    %get3A_368 = tpu.vector_load %arg9[%get3A_367] {strides = array<i32>} : memref<512xi32, #tpu.memory_space<vmem>>, vector<16xi32>,
    %get3A_369 = vector.shape_cast %get3A_368 : vector<16xi32> to vector<16xi32>
    %ne3A_370 = arith.constant 0 : i32
    %ne3A_371 = vector.broadcast %ne3A_370 : i32 to vector<16xi32>
    %ne3A_372 = arith.cmpi ne, %get3A_366, %ne3A_371 : vector<16xi32>
    %select_n3A_373 = arith.select %ne3A_372, %get3A_369, %get3A_363 : vector<16xi1>, vector<16xi32>
    %swap3A_374 = arith.constant 320 : index
    %swap3A_375 = tpu.vector_load %arg10[%swap3A_374] {strides = array<i32>} : memref<512xi32, #tpu.memory_space<vmem>>, vector<16xi32>,
    %swap3A_376 = vector.shape_cast %swap3A_375 : vector<16xi32> to vector<16xi32>
    %swap3A_377 = vector.shape_cast %select_n3A_373 : vector<16xi32> to vector<16xi32>
    tpu.vector_store %arg10[%swap3A_374], %swap3A_377 {strides = array<i32>} : memref<512xi32, #tpu.memory_space<vmem>>, vector<16xi32>,
    %get3A_378 = arith.constant 80 : index
    %get3A_379 = tpu.vector_load %arg7[%get3A_378] {strides = array<i32>} : memref<128xi32, #tpu.memory_space<vmem>>, vector<16xi32>,
    %get3A_380 = vector.shape_cast %get3A_379 : vector<16xi32> to vector<16xi32>
    %get3A_381 = arith.constant 336 : index
    %get3A_382 = tpu.vector_load %arg8[%get3A_381] {strides = array<i32>} : memref<512xi32, #tpu.memory_space<vmem>>, vector<16xi32>,
    %get3A_383 = vector.shape_cast %get3A_382 : vector<16xi32> to vector<16xi32>
    %get3A_384 = arith.constant 336 : index
    %get3A_385 = tpu.vector_load %arg9[%get3A_384] {strides = array<i32>} : memref<512xi32, #tpu.memory_space<vmem>>, vector<16xi32>,
    %get3A_386 = vector.shape_cast %get3A_385 : vector<16xi32> to vector<16xi32>
    %ne3A_387 = arith.constant 0 : i32
    %ne3A_388 = vector.broadcast %ne3A_387 : i32 to vector<16xi32>
    %ne3A_389 = arith.cmpi ne, %get3A_383, %ne3A_388 : vector<16xi32>
    %select_n3A_390 = arith.select %ne3A_389, %get3A_386, %get3A_380 : vector<16xi1>, vector<16xi32>
    %swap3A_391 = arith.constant 336 : index
    %swap3A_392 = tpu.vector_load %arg10[%swap3A_391] {strides = array<i32>} : memref<512xi32, #tpu.memory_space<vmem>>, vector<16xi32>,
    %swap3A_393 = vector.shape_cast %swap3A_392 : vector<16xi32> to vector<16xi32>
    %swap3A_394 = vector.shape_cast %select_n3A_390 : vector<16xi32> to vector<16xi32>
    tpu.vector_store %arg10[%swap3A_391], %swap3A_394 {strides = array<i32>} : memref<512xi32, #tpu.memory_space<vmem>>, vector<16xi32>,
    %get3A_395 = arith.constant 96 : index
    %get3A_396 = tpu.vector_load %arg7[%get3A_395] {strides = array<i32>} : memref<128xi32, #tpu.memory_space<vmem>>, vector<16xi32>,
    %get3A_397 = vector.shape_cast %get3A_396 : vector<16xi32> to vector<16xi32>
    %get3A_398 = arith.constant 352 : index
    %get3A_399 = tpu.vector_load %arg8[%get3A_398] {strides = array<i32>} : memref<512xi32, #tpu.memory_space<vmem>>, vector<16xi32>,
    %get3A_400 = vector.shape_cast %get3A_399 : vector<16xi32> to vector<16xi32>
    %get3A_401 = arith.constant 352 : index
    %get3A_402 = tpu.vector_load %arg9[%get3A_401] {strides = array<i32>} : memref<512xi32, #tpu.memory_space<vmem>>, vector<16xi32>,
    %get3A_403 = vector.shape_cast %get3A_402 : vector<16xi32> to vector<16xi32>
    %ne3A_404 = arith.constant 0 : i32
    %ne3A_405 = vector.broadcast %ne3A_404 : i32 to vector<16xi32>
    %ne3A_406 = arith.cmpi ne, %get3A_400, %ne3A_405 : vector<16xi32>
    %select_n3A_407 = arith.select %ne3A_406, %get3A_403, %get3A_397 : vector<16xi1>, vector<16xi32>
    %swap3A_408 = arith.constant 352 : index
    %swap3A_409 = tpu.vector_load %arg10[%swap3A_408] {strides = array<i32>} : memref<512xi32, #tpu.memory_space<vmem>>, vector<16xi32>,
    %swap3A_410 = vector.shape_cast %swap3A_409 : vector<16xi32> to vector<16xi32>
    %swap3A_411 = vector.shape_cast %select_n3A_407 : vector<16xi32> to vector<16xi32>
    tpu.vector_store %arg10[%swap3A_408], %swap3A_411 {strides = array<i32>} : memref<512xi32, #tpu.memory_space<vmem>>, vector<16xi32>,
    %get3A_412 = arith.constant 112 : index
    %get3A_413 = tpu.vector_load %arg7[%get3A_412] {strides = array<i32>} : memref<128xi32, #tpu.memory_space<vmem>>, vector<16xi32>,
    %get3A_414 = vector.shape_cast %get3A_413 : vector<16xi32> to vector<16xi32>
    %get3A_415 = arith.constant 368 : index
    %get3A_416 = tpu.vector_load %arg8[%get3A_415] {strides = array<i32>} : memref<512xi32, #tpu.memory_space<vmem>>, vector<16xi32>,
    %get3A_417 = vector.shape_cast %get3A_416 : vector<16xi32> to vector<16xi32>
    %get3A_418 = arith.constant 368 : index
    %get3A_419 = tpu.vector_load %arg9[%get3A_418] {strides = array<i32>} : memref<512xi32, #tpu.memory_space<vmem>>, vector<16xi32>,
    %get3A_420 = vector.shape_cast %get3A_419 : vector<16xi32> to vector<16xi32>
    %ne3A_421 = arith.constant 0 : i32
    %ne3A_422 = vector.broadcast %ne3A_421 : i32 to vector<16xi32>
    %ne3A_423 = arith.cmpi ne, %get3A_417, %ne3A_422 : vector<16xi32>
    %select_n3A_424 = arith.select %ne3A_423, %get3A_420, %get3A_414 : vector<16xi1>, vector<16xi32>
    %swap3A_425 = arith.constant 368 : index
    %swap3A_426 = tpu.vector_load %arg10[%swap3A_425] {strides = array<i32>} : memref<512xi32, #tpu.memory_space<vmem>>, vector<16xi32>,
    %swap3A_427 = vector.shape_cast %swap3A_426 : vector<16xi32> to vector<16xi32>
    %swap3A_428 = vector.shape_cast %select_n3A_424 : vector<16xi32> to vector<16xi32>
    tpu.vector_store %arg10[%swap3A_425], %swap3A_428 {strides = array<i32>} : memref<512xi32, #tpu.memory_space<vmem>>, vector<16xi32>,
    %get3A_429 = arith.constant 0 : index
    %get3A_430 = tpu.vector_load %arg7[%get3A_429] {strides = array<i32>} : memref<128xi32, #tpu.memory_space<vmem>>, vector<16xi32>,
    %get3A_431 = vector.shape_cast %get3A_430 : vector<16xi32> to vector<16xi32>
    %get3A_432 = arith.constant 384 : index
    %get3A_433 = tpu.vector_load %arg8[%get3A_432] {strides = array<i32>} : memref<512xi32, #tpu.memory_space<vmem>>, vector<16xi32>,
    %get3A_434 = vector.shape_cast %get3A_433 : vector<16xi32> to vector<16xi32>
    %get3A_435 = arith.constant 384 : index
    %get3A_436 = tpu.vector_load %arg9[%get3A_435] {strides = array<i32>} : memref<512xi32, #tpu.memory_space<vmem>>, vector<16xi32>,
    %get3A_437 = vector.shape_cast %get3A_436 : vector<16xi32> to vector<16xi32>
    %ne3A_438 = arith.constant 0 : i32
    %ne3A_439 = vector.broadcast %ne3A_438 : i32 to vector<16xi32>
    %ne3A_440 = arith.cmpi ne, %get3A_434, %ne3A_439 : vector<16xi32>
    %select_n3A_441 = arith.select %ne3A_440, %get3A_437, %get3A_431 : vector<16xi1>, vector<16xi32>
    %swap3A_442 = arith.constant 384 : index
    %swap3A_443 = tpu.vector_load %arg10[%swap3A_442] {strides = array<i32>} : memref<512xi32, #tpu.memory_space<vmem>>, vector<16xi32>,
    %swap3A_444 = vector.shape_cast %swap3A_443 : vector<16xi32> to vector<16xi32>
    %swap3A_445 = vector.shape_cast %select_n3A_441 : vector<16xi32> to vector<16xi32>
    tpu.vector_store %arg10[%swap3A_442], %swap3A_445 {strides = array<i32>} : memref<512xi32, #tpu.memory_space<vmem>>, vector<16xi32>,
    %get3A_446 = arith.constant 16 : index
    %get3A_447 = tpu.vector_load %arg7[%get3A_446] {strides = array<i32>} : memref<128xi32, #tpu.memory_space<vmem>>, vector<16xi32>,
    %get3A_448 = vector.shape_cast %get3A_447 : vector<16xi32> to vector<16xi32>
    %get3A_449 = arith.constant 400 : index
    %get3A_450 = tpu.vector_load %arg8[%get3A_449] {strides = array<i32>} : memref<512xi32, #tpu.memory_space<vmem>>, vector<16xi32>,
    %get3A_451 = vector.shape_cast %get3A_450 : vector<16xi32> to vector<16xi32>
    %get3A_452 = arith.constant 400 : index
    %get3A_453 = tpu.vector_load %arg9[%get3A_452] {strides = array<i32>} : memref<512xi32, #tpu.memory_space<vmem>>, vector<16xi32>,
    %get3A_454 = vector.shape_cast %get3A_453 : vector<16xi32> to vector<16xi32>
    %ne3A_455 = arith.constant 0 : i32
    %ne3A_456 = vector.broadcast %ne3A_455 : i32 to vector<16xi32>
    %ne3A_457 = arith.cmpi ne, %get3A_451, %ne3A_456 : vector<16xi32>
    %select_n3A_458 = arith.select %ne3A_457, %get3A_454, %get3A_448 : vector<16xi1>, vector<16xi32>
    %swap3A_459 = arith.constant 400 : index
    %swap3A_460 = tpu.vector_load %arg10[%swap3A_459] {strides = array<i32>} : memref<512xi32, #tpu.memory_space<vmem>>, vector<16xi32>,
    %swap3A_461 = vector.shape_cast %swap3A_460 : vector<16xi32> to vector<16xi32>
    %swap3A_462 = vector.shape_cast %select_n3A_458 : vector<16xi32> to vector<16xi32>
    tpu.vector_store %arg10[%swap3A_459], %swap3A_462 {strides = array<i32>} : memref<512xi32, #tpu.memory_space<vmem>>, vector<16xi32>,
    %get3A_463 = arith.constant 32 : index
    %get3A_464 = tpu.vector_load %arg7[%get3A_463] {strides = array<i32>} : memref<128xi32, #tpu.memory_space<vmem>>, vector<16xi32>,
    %get3A_465 = vector.shape_cast %get3A_464 : vector<16xi32> to vector<16xi32>
    %get3A_466 = arith.constant 416 : index
    %get3A_467 = tpu.vector_load %arg8[%get3A_466] {strides = array<i32>} : memref<512xi32, #tpu.memory_space<vmem>>, vector<16xi32>,
    %get3A_468 = vector.shape_cast %get3A_467 : vector<16xi32> to vector<16xi32>
    %get3A_469 = arith.constant 416 : index
    %get3A_470 = tpu.vector_load %arg9[%get3A_469] {strides = array<i32>} : memref<512xi32, #tpu.memory_space<vmem>>, vector<16xi32>,
    %get3A_471 = vector.shape_cast %get3A_470 : vector<16xi32> to vector<16xi32>
    %ne3A_472 = arith.constant 0 : i32
    %ne3A_473 = vector.broadcast %ne3A_472 : i32 to vector<16xi32>
    %ne3A_474 = arith.cmpi ne, %get3A_468, %ne3A_473 : vector<16xi32>
    %select_n3A_475 = arith.select %ne3A_474, %get3A_471, %get3A_465 : vector<16xi1>, vector<16xi32>
    %swap3A_476 = arith.constant 416 : index
    %swap3A_477 = tpu.vector_load %arg10[%swap3A_476] {strides = array<i32>} : memref<512xi32, #tpu.memory_space<vmem>>, vector<16xi32>,
    %swap3A_478 = vector.shape_cast %swap3A_477 : vector<16xi32> to vector<16xi32>
    %swap3A_479 = vector.shape_cast %select_n3A_475 : vector<16xi32> to vector<16xi32>
    tpu.vector_store %arg10[%swap3A_476], %swap3A_479 {strides = array<i32>} : memref<512xi32, #tpu.memory_space<vmem>>, vector<16xi32>,
    %get3A_480 = arith.constant 48 : index
    %get3A_481 = tpu.vector_load %arg7[%get3A_480] {strides = array<i32>} : memref<128xi32, #tpu.memory_space<vmem>>, vector<16xi32>,
    %get3A_482 = vector.shape_cast %get3A_481 : vector<16xi32> to vector<16xi32>
    %get3A_483 = arith.constant 432 : index
    %get3A_484 = tpu.vector_load %arg8[%get3A_483] {strides = array<i32>} : memref<512xi32, #tpu.memory_space<vmem>>, vector<16xi32>,
    %get3A_485 = vector.shape_cast %get3A_484 : vector<16xi32> to vector<16xi32>
    %get3A_486 = arith.constant 432 : index
    %get3A_487 = tpu.vector_load %arg9[%get3A_486] {strides = array<i32>} : memref<512xi32, #tpu.memory_space<vmem>>, vector<16xi32>,
    %get3A_488 = vector.shape_cast %get3A_487 : vector<16xi32> to vector<16xi32>
    %ne3A_489 = arith.constant 0 : i32
    %ne3A_490 = vector.broadcast %ne3A_489 : i32 to vector<16xi32>
    %ne3A_491 = arith.cmpi ne, %get3A_485, %ne3A_490 : vector<16xi32>
    %select_n3A_492 = arith.select %ne3A_491, %get3A_488, %get3A_482 : vector<16xi1>, vector<16xi32>
    %swap3A_493 = arith.constant 432 : index
    %swap3A_494 = tpu.vector_load %arg10[%swap3A_493] {strides = array<i32>} : memref<512xi32, #tpu.memory_space<vmem>>, vector<16xi32>,
    %swap3A_495 = vector.shape_cast %swap3A_494 : vector<16xi32> to vector<16xi32>
    %swap3A_496 = vector.shape_cast %select_n3A_492 : vector<16xi32> to vector<16xi32>
    tpu.vector_store %arg10[%swap3A_493], %swap3A_496 {strides = array<i32>} : memref<512xi32, #tpu.memory_space<vmem>>, vector<16xi32>,
    %get3A_497 = arith.constant 64 : index
    %get3A_498 = tpu.vector_load %arg7[%get3A_497] {strides = array<i32>} : memref<128xi32, #tpu.memory_space<vmem>>, vector<16xi32>,
    %get3A_499 = vector.shape_cast %get3A_498 : vector<16xi32> to vector<16xi32>
    %get3A_500 = arith.constant 448 : index
    %get3A_501 = tpu.vector_load %arg8[%get3A_500] {strides = array<i32>} : memref<512xi32, #tpu.memory_space<vmem>>, vector<16xi32>,
    %get3A_502 = vector.shape_cast %get3A_501 : vector<16xi32> to vector<16xi32>
    %get3A_503 = arith.constant 448 : index
    %get3A_504 = tpu.vector_load %arg9[%get3A_503] {strides = array<i32>} : memref<512xi32, #tpu.memory_space<vmem>>, vector<16xi32>,
    %get3A_505 = vector.shape_cast %get3A_504 : vector<16xi32> to vector<16xi32>
    %ne3A_506 = arith.constant 0 : i32
    %ne3A_507 = vector.broadcast %ne3A_506 : i32 to vector<16xi32>
    %ne3A_508 = arith.cmpi ne, %get3A_502, %ne3A_507 : vector<16xi32>
    %select_n3A_509 = arith.select %ne3A_508, %get3A_505, %get3A_499 : vector<16xi1>, vector<16xi32>
    %swap3A_510 = arith.constant 448 : index
    %swap3A_511 = tpu.vector_load %arg10[%swap3A_510] {strides = array<i32>} : memref<512xi32, #tpu.memory_space<vmem>>, vector<16xi32>,
    %swap3A_512 = vector.shape_cast %swap3A_511 : vector<16xi32> to vector<16xi32>
    %swap3A_513 = vector.shape_cast %select_n3A_509 : vector<16xi32> to vector<16xi32>
    tpu.vector_store %arg10[%swap3A_510], %swap3A_513 {strides = array<i32>} : memref<512xi32, #tpu.memory_space<vmem>>, vector<16xi32>,
    %get3A_514 = arith.constant 80 : index
    %get3A_515 = tpu.vector_load %arg7[%get3A_514] {strides = array<i32>} : memref<128xi32, #tpu.memory_space<vmem>>, vector<16xi32>,
    %get3A_516 = vector.shape_cast %get3A_515 : vector<16xi32> to vector<16xi32>
    %get3A_517 = arith.constant 464 : index
    %get3A_518 = tpu.vector_load %arg8[%get3A_517] {strides = array<i32>} : memref<512xi32, #tpu.memory_space<vmem>>, vector<16xi32>,
    %get3A_519 = vector.shape_cast %get3A_518 : vector<16xi32> to vector<16xi32>
    %get3A_520 = arith.constant 464 : index
    %get3A_521 = tpu.vector_load %arg9[%get3A_520] {strides = array<i32>} : memref<512xi32, #tpu.memory_space<vmem>>, vector<16xi32>,
    %get3A_522 = vector.shape_cast %get3A_521 : vector<16xi32> to vector<16xi32>
    %ne3A_523 = arith.constant 0 : i32
    %ne3A_524 = vector.broadcast %ne3A_523 : i32 to vector<16xi32>
    %ne3A_525 = arith.cmpi ne, %get3A_519, %ne3A_524 : vector<16xi32>
    %select_n3A_526 = arith.select %ne3A_525, %get3A_522, %get3A_516 : vector<16xi1>, vector<16xi32>
    %swap3A_527 = arith.constant 464 : index
    %swap3A_528 = tpu.vector_load %arg10[%swap3A_527] {strides = array<i32>} : memref<512xi32, #tpu.memory_space<vmem>>, vector<16xi32>,
    %swap3A_529 = vector.shape_cast %swap3A_528 : vector<16xi32> to vector<16xi32>
    %swap3A_530 = vector.shape_cast %select_n3A_526 : vector<16xi32> to vector<16xi32>
    tpu.vector_store %arg10[%swap3A_527], %swap3A_530 {strides = array<i32>} : memref<512xi32, #tpu.memory_space<vmem>>, vector<16xi32>,
    %get3A_531 = arith.constant 96 : index
    %get3A_532 = tpu.vector_load %arg7[%get3A_531] {strides = array<i32>} : memref<128xi32, #tpu.memory_space<vmem>>, vector<16xi32>,
    %get3A_533 = vector.shape_cast %get3A_532 : vector<16xi32> to vector<16xi32>
    %get3A_534 = arith.constant 480 : index
    %get3A_535 = tpu.vector_load %arg8[%get3A_534] {strides = array<i32>} : memref<512xi32, #tpu.memory_space<vmem>>, vector<16xi32>,
    %get3A_536 = vector.shape_cast %get3A_535 : vector<16xi32> to vector<16xi32>
    %get3A_537 = arith.constant 480 : index
    %get3A_538 = tpu.vector_load %arg9[%get3A_537] {strides = array<i32>} : memref<512xi32, #tpu.memory_space<vmem>>, vector<16xi32>,
    %get3A_539 = vector.shape_cast %get3A_538 : vector<16xi32> to vector<16xi32>
    %ne3A_540 = arith.constant 0 : i32
    %ne3A_541 = vector.broadcast %ne3A_540 : i32 to vector<16xi32>
    %ne3A_542 = arith.cmpi ne, %get3A_536, %ne3A_541 : vector<16xi32>
    %select_n3A_543 = arith.select %ne3A_542, %get3A_539, %get3A_533 : vector<16xi1>, vector<16xi32>
    %swap3A_544 = arith.constant 480 : index
    %swap3A_545 = tpu.vector_load %arg10[%swap3A_544] {strides = array<i32>} : memref<512xi32, #tpu.memory_space<vmem>>, vector<16xi32>,
    %swap3A_546 = vector.shape_cast %swap3A_545 : vector<16xi32> to vector<16xi32>
    %swap3A_547 = vector.shape_cast %select_n3A_543 : vector<16xi32> to vector<16xi32>
    tpu.vector_store %arg10[%swap3A_544], %swap3A_547 {strides = array<i32>} : memref<512xi32, #tpu.memory_space<vmem>>, vector<16xi32>,
    %get3A_548 = arith.constant 112 : index
    %get3A_549 = tpu.vector_load %arg7[%get3A_548] {strides = array<i32>} : memref<128xi32, #tpu.memory_space<vmem>>, vector<16xi32>,
    %get3A_550 = vector.shape_cast %get3A_549 : vector<16xi32> to vector<16xi32>
    %get3A_551 = arith.constant 496 : index
    %get3A_552 = tpu.vector_load %arg8[%get3A_551] {strides = array<i32>} : memref<512xi32, #tpu.memory_space<vmem>>, vector<16xi32>,
    %get3A_553 = vector.shape_cast %get3A_552 : vector<16xi32> to vector<16xi32>
    %get3A_554 = arith.constant 496 : index
    %get3A_555 = tpu.vector_load %arg9[%get3A_554] {strides = array<i32>} : memref<512xi32, #tpu.memory_space<vmem>>, vector<16xi32>,
    %get3A_556 = vector.shape_cast %get3A_555 : vector<16xi32> to vector<16xi32>
    %ne3A_557 = arith.constant 0 : i32
    %ne3A_558 = vector.broadcast %ne3A_557 : i32 to vector<16xi32>
    %ne3A_559 = arith.cmpi ne, %get3A_553, %ne3A_558 : vector<16xi32>
    %select_n3A_560 = arith.select %ne3A_559, %get3A_556, %get3A_550 : vector<16xi1>, vector<16xi32>
    %swap3A_561 = arith.constant 496 : index
    %swap3A_562 = tpu.vector_load %arg10[%swap3A_561] {strides = array<i32>} : memref<512xi32, #tpu.memory_space<vmem>>, vector<16xi32>,
    %swap3A_563 = vector.shape_cast %swap3A_562 : vector<16xi32> to vector<16xi32>
    %swap3A_564 = vector.shape_cast %select_n3A_560 : vector<16xi32> to vector<16xi32>
    tpu.vector_store %arg10[%swap3A_561], %swap3A_564 {strides = array<i32>} : memref<512xi32, #tpu.memory_space<vmem>>, vector<16xi32>,
    %mul3A_565 = arith.constant 512 : i32
    %mul3A_566 = arith.muli %mul3A_565, %add3A : i32
    "tpu.region"() ({
      %run_scoped3A = tpu.sem_alloc : memref<!tpu.dma_semaphore, #tpu.memory_space<semaphore_mem>>
      %dma_start3A = tpu.memref_slice %arg5[%mul3A_566] : memref<16384xi32, #tpu.memory_space<hbm>> -> memref<512xi32, #tpu.memory_space<hbm>>
      %dma_start3A_1161 = tpu.memref_slice %arg5[%mul3A_566] : memref<16384xi32, #tpu.memory_space<hbm>> -> memref<512xi32, #tpu.memory_space<hbm>>
      tpu.enqueue_dma source(%arg10 : memref<512xi32, #tpu.memory_space<vmem>>) target(%dma_start3A_1161 : memref<512xi32, #tpu.memory_space<hbm>>) target_semaphore(%run_scoped3A : memref<!tpu.dma_semaphore, #tpu.memory_space<semaphore_mem>>)
      %dma_wait3A = tpu.memref_slice %arg5[%mul3A_566] : memref<16384xi32, #tpu.memory_space<hbm>> -> memref<512xi32, #tpu.memory_space<hbm>>
      %dma_wait3A_1162 = tpu.memref_slice %arg5[%mul3A_566] : memref<16384xi32, #tpu.memory_space<hbm>> -> memref<512xi32, #tpu.memory_space<hbm>>
      tpu.wait_dma2 semaphore(%run_scoped3A : memref<!tpu.dma_semaphore, #tpu.memory_space<semaphore_mem>>) src(%arg10 : memref<512xi32, #tpu.memory_space<vmem>>) dst(%dma_wait3A_1162 : memref<512xi32, #tpu.memory_space<hbm>>)
      tpu.yield
    }) : () -> ()
    %jit3A_567 = arith.constant 4 : i32
    %eq3A = arith.constant 0 : i32
    %eq3A_568 = arith.cmpi eq, %jit3A_567, %eq3A : i32
    %jit3A_569 = arith.constant 1 : i32
    %select_n3A_570 = arith.select %eq3A_568, %jit3A_569, %jit3A_567 : i32
    %rem3A_571 = arith.remsi %add3A, %select_n3A_570 : i32
    %ne3A_572 = arith.constant 0 : i32
    %ne3A_573 = arith.cmpi ne, %rem3A_571, %ne3A_572 : i32
    %lt3A = arith.constant 0 : i32
    %lt3A_574 = arith.cmpi slt, %rem3A_571, %lt3A : i32
    %lt3A_575 = arith.constant 0 : i32
    %lt3A_576 = arith.cmpi slt, %select_n3A_570, %lt3A_575 : i32
    %ne3A_577 = arith.xori %lt3A_574, %lt3A_576 : i1
    %and3A_578 = arith.andi %ne3A_577, %ne3A_573 : i1
    %add3A_579 = arith.addi %rem3A_571, %select_n3A_570 : i32
    %select_n3A_580 = arith.select %and3A_578, %add3A_579, %rem3A_571 : i32
    %mul3A_581 = arith.constant 256 : i32
    %mul3A_582 = arith.muli %mul3A_581, %select_n3A_580 : i32
    %iota3A = tpu.iota {dimensions = array<i32: 0>} : vector<16xi32>
    %add3A_583 = arith.constant 0 : i32
    %add3A_584 = arith.addi %mul3A_582, %add3A_583 : i32
    %jit3A_585 = arith.constant 128 : i32
    %div3A_586 = arith.divsi %add3A_584, %jit3A_585 : i32
    %sign3A_587 = arith.constant 0 : i32
    %sign3A_588 = arith.cmpi sgt, %add3A_584, %sign3A_587 : i32
    %sign3A_589 = arith.extui %sign3A_588 : i1 to i32
    %sign3A_590 = arith.constant 0 : i32
    %sign3A_591 = arith.cmpi slt, %add3A_584, %sign3A_590 : i32
    %sign3A_592 = arith.extui %sign3A_591 : i1 to i32
    %sign3A_593 = arith.subi %sign3A_589, %sign3A_592 : i32
    %sign3A_594 = arith.constant 0 : i32
    %sign3A_595 = arith.cmpi sgt, %jit3A_585, %sign3A_594 : i32
    %sign3A_596 = arith.extui %sign3A_595 : i1 to i32
    %sign3A_597 = arith.constant 0 : i32
    %sign3A_598 = arith.cmpi slt, %jit3A_585, %sign3A_597 : i32
    %sign3A_599 = arith.extui %sign3A_598 : i1 to i32
    %sign3A_600 = arith.subi %sign3A_596, %sign3A_599 : i32
    %ne3A_601 = arith.cmpi ne, %sign3A_593, %sign3A_600 : i32
    %rem3A_602 = arith.remsi %add3A_584, %jit3A_585 : i32
    %ne3A_603 = arith.constant 0 : i32
    %ne3A_604 = arith.cmpi ne, %rem3A_602, %ne3A_603 : i32
    %and3A_605 = arith.andi %ne3A_601, %ne3A_604 : i1
    %sub3A_606 = arith.constant 1 : i32
    %sub3A_607 = arith.subi %div3A_586, %sub3A_606 : i32
    %select_n3A_608 = arith.select %and3A_605, %sub3A_607, %div3A_586 : i32
    %mul3A_609 = arith.constant 256 : i32
    %mul3A_610 = arith.muli %select_n3A_608, %mul3A_609 : i32
    %add3A_611 = arith.constant 0 : i32
    %add3A_612 = arith.addi %mul3A_610, %add3A_611 : i32
    %add3A_613 = vector.broadcast %add3A_612 : i32 to vector<16xi32>
    %add3A_614 = arith.addi %iota3A, %add3A_613 : vector<16xi32>
    %swap3A_615 = arith.constant 0 : index
    %swap3A_616 = tpu.vector_load %arg11[%swap3A_615] {strides = array<i32>} : memref<256xi32, #tpu.memory_space<vmem>>, vector<16xi32>,
    %swap3A_617 = vector.shape_cast %swap3A_616 : vector<16xi32> to vector<16xi32>
    %swap3A_618 = vector.shape_cast %add3A_614 : vector<16xi32> to vector<16xi32>
    tpu.vector_store %arg11[%swap3A_615], %swap3A_618 {strides = array<i32>} : memref<256xi32, #tpu.memory_space<vmem>>, vector<16xi32>,
    %add3A_619 = arith.constant 16 : i32
    %add3A_620 = arith.addi %mul3A_582, %add3A_619 : i32
    %jit3A_621 = arith.constant 128 : i32
    %div3A_622 = arith.divsi %add3A_620, %jit3A_621 : i32
    %sign3A_623 = arith.constant 0 : i32
    %sign3A_624 = arith.cmpi sgt, %add3A_620, %sign3A_623 : i32
    %sign3A_625 = arith.extui %sign3A_624 : i1 to i32
    %sign3A_626 = arith.constant 0 : i32
    %sign3A_627 = arith.cmpi slt, %add3A_620, %sign3A_626 : i32
    %sign3A_628 = arith.extui %sign3A_627 : i1 to i32
    %sign3A_629 = arith.subi %sign3A_625, %sign3A_628 : i32
    %sign3A_630 = arith.constant 0 : i32
    %sign3A_631 = arith.cmpi sgt, %jit3A_621, %sign3A_630 : i32
    %sign3A_632 = arith.extui %sign3A_631 : i1 to i32
    %sign3A_633 = arith.constant 0 : i32
    %sign3A_634 = arith.cmpi slt, %jit3A_621, %sign3A_633 : i32
    %sign3A_635 = arith.extui %sign3A_634 : i1 to i32
    %sign3A_636 = arith.subi %sign3A_632, %sign3A_635 : i32
    %ne3A_637 = arith.cmpi ne, %sign3A_629, %sign3A_636 : i32
    %rem3A_638 = arith.remsi %add3A_620, %jit3A_621 : i32
    %ne3A_639 = arith.constant 0 : i32
    %ne3A_640 = arith.cmpi ne, %rem3A_638, %ne3A_639 : i32
    %and3A_641 = arith.andi %ne3A_637, %ne3A_640 : i1
    %sub3A_642 = arith.constant 1 : i32
    %sub3A_643 = arith.subi %div3A_622, %sub3A_642 : i32
    %select_n3A_644 = arith.select %and3A_641, %sub3A_643, %div3A_622 : i32
    %mul3A_645 = arith.constant 256 : i32
    %mul3A_646 = arith.muli %select_n3A_644, %mul3A_645 : i32
    %add3A_647 = arith.constant 16 : i32
    %add3A_648 = arith.addi %mul3A_646, %add3A_647 : i32
    %add3A_649 = vector.broadcast %add3A_648 : i32 to vector<16xi32>
    %add3A_650 = arith.addi %iota3A, %add3A_649 : vector<16xi32>
    %swap3A_651 = arith.constant 16 : index
    %swap3A_652 = tpu.vector_load %arg11[%swap3A_651] {strides = array<i32>} : memref<256xi32, #tpu.memory_space<vmem>>, vector<16xi32>,
    %swap3A_653 = vector.shape_cast %swap3A_652 : vector<16xi32> to vector<16xi32>
    %swap3A_654 = vector.shape_cast %add3A_650 : vector<16xi32> to vector<16xi32>
    tpu.vector_store %arg11[%swap3A_651], %swap3A_654 {strides = array<i32>} : memref<256xi32, #tpu.memory_space<vmem>>, vector<16xi32>,
    %add3A_655 = arith.constant 32 : i32
    %add3A_656 = arith.addi %mul3A_582, %add3A_655 : i32
    %jit3A_657 = arith.constant 128 : i32
    %div3A_658 = arith.divsi %add3A_656, %jit3A_657 : i32
    %sign3A_659 = arith.constant 0 : i32
    %sign3A_660 = arith.cmpi sgt, %add3A_656, %sign3A_659 : i32
    %sign3A_661 = arith.extui %sign3A_660 : i1 to i32
    %sign3A_662 = arith.constant 0 : i32
    %sign3A_663 = arith.cmpi slt, %add3A_656, %sign3A_662 : i32
    %sign3A_664 = arith.extui %sign3A_663 : i1 to i32
    %sign3A_665 = arith.subi %sign3A_661, %sign3A_664 : i32
    %sign3A_666 = arith.constant 0 : i32
    %sign3A_667 = arith.cmpi sgt, %jit3A_657, %sign3A_666 : i32
    %sign3A_668 = arith.extui %sign3A_667 : i1 to i32
    %sign3A_669 = arith.constant 0 : i32
    %sign3A_670 = arith.cmpi slt, %jit3A_657, %sign3A_669 : i32
    %sign3A_671 = arith.extui %sign3A_670 : i1 to i32
    %sign3A_672 = arith.subi %sign3A_668, %sign3A_671 : i32
    %ne3A_673 = arith.cmpi ne, %sign3A_665, %sign3A_672 : i32
    %rem3A_674 = arith.remsi %add3A_656, %jit3A_657 : i32
    %ne3A_675 = arith.constant 0 : i32
    %ne3A_676 = arith.cmpi ne, %rem3A_674, %ne3A_675 : i32
    %and3A_677 = arith.andi %ne3A_673, %ne3A_676 : i1
    %sub3A_678 = arith.constant 1 : i32
    %sub3A_679 = arith.subi %div3A_658, %sub3A_678 : i32
    %select_n3A_680 = arith.select %and3A_677, %sub3A_679, %div3A_658 : i32
    %mul3A_681 = arith.constant 256 : i32
    %mul3A_682 = arith.muli %select_n3A_680, %mul3A_681 : i32
    %add3A_683 = arith.constant 32 : i32
    %add3A_684 = arith.addi %mul3A_682, %add3A_683 : i32
    %add3A_685 = vector.broadcast %add3A_684 : i32 to vector<16xi32>
    %add3A_686 = arith.addi %iota3A, %add3A_685 : vector<16xi32>
    %swap3A_687 = arith.constant 32 : index
    %swap3A_688 = tpu.vector_load %arg11[%swap3A_687] {strides = array<i32>} : memref<256xi32, #tpu.memory_space<vmem>>, vector<16xi32>,
    %swap3A_689 = vector.shape_cast %swap3A_688 : vector<16xi32> to vector<16xi32>
    %swap3A_690 = vector.shape_cast %add3A_686 : vector<16xi32> to vector<16xi32>
    tpu.vector_store %arg11[%swap3A_687], %swap3A_690 {strides = array<i32>} : memref<256xi32, #tpu.memory_space<vmem>>, vector<16xi32>,
    %add3A_691 = arith.constant 48 : i32
    %add3A_692 = arith.addi %mul3A_582, %add3A_691 : i32
    %jit3A_693 = arith.constant 128 : i32
    %div3A_694 = arith.divsi %add3A_692, %jit3A_693 : i32
    %sign3A_695 = arith.constant 0 : i32
    %sign3A_696 = arith.cmpi sgt, %add3A_692, %sign3A_695 : i32
    %sign3A_697 = arith.extui %sign3A_696 : i1 to i32
    %sign3A_698 = arith.constant 0 : i32
    %sign3A_699 = arith.cmpi slt, %add3A_692, %sign3A_698 : i32
    %sign3A_700 = arith.extui %sign3A_699 : i1 to i32
    %sign3A_701 = arith.subi %sign3A_697, %sign3A_700 : i32
    %sign3A_702 = arith.constant 0 : i32
    %sign3A_703 = arith.cmpi sgt, %jit3A_693, %sign3A_702 : i32
    %sign3A_704 = arith.extui %sign3A_703 : i1 to i32
    %sign3A_705 = arith.constant 0 : i32
    %sign3A_706 = arith.cmpi slt, %jit3A_693, %sign3A_705 : i32
    %sign3A_707 = arith.extui %sign3A_706 : i1 to i32
    %sign3A_708 = arith.subi %sign3A_704, %sign3A_707 : i32
    %ne3A_709 = arith.cmpi ne, %sign3A_701, %sign3A_708 : i32
    %rem3A_710 = arith.remsi %add3A_692, %jit3A_693 : i32
    %ne3A_711 = arith.constant 0 : i32
    %ne3A_712 = arith.cmpi ne, %rem3A_710, %ne3A_711 : i32
    %and3A_713 = arith.andi %ne3A_709, %ne3A_712 : i1
    %sub3A_714 = arith.constant 1 : i32
    %sub3A_715 = arith.subi %div3A_694, %sub3A_714 : i32
    %select_n3A_716 = arith.select %and3A_713, %sub3A_715, %div3A_694 : i32
    %mul3A_717 = arith.constant 256 : i32
    %mul3A_718 = arith.muli %select_n3A_716, %mul3A_717 : i32
    %add3A_719 = arith.constant 48 : i32
    %add3A_720 = arith.addi %mul3A_718, %add3A_719 : i32
    %add3A_721 = vector.broadcast %add3A_720 : i32 to vector<16xi32>
    %add3A_722 = arith.addi %iota3A, %add3A_721 : vector<16xi32>
    %swap3A_723 = arith.constant 48 : index
    %swap3A_724 = tpu.vector_load %arg11[%swap3A_723] {strides = array<i32>} : memref<256xi32, #tpu.memory_space<vmem>>, vector<16xi32>,
    %swap3A_725 = vector.shape_cast %swap3A_724 : vector<16xi32> to vector<16xi32>
    %swap3A_726 = vector.shape_cast %add3A_722 : vector<16xi32> to vector<16xi32>
    tpu.vector_store %arg11[%swap3A_723], %swap3A_726 {strides = array<i32>} : memref<256xi32, #tpu.memory_space<vmem>>, vector<16xi32>,
    %add3A_727 = arith.constant 64 : i32
    %add3A_728 = arith.addi %mul3A_582, %add3A_727 : i32
    %jit3A_729 = arith.constant 128 : i32
    %div3A_730 = arith.divsi %add3A_728, %jit3A_729 : i32
    %sign3A_731 = arith.constant 0 : i32
    %sign3A_732 = arith.cmpi sgt, %add3A_728, %sign3A_731 : i32
    %sign3A_733 = arith.extui %sign3A_732 : i1 to i32
    %sign3A_734 = arith.constant 0 : i32
    %sign3A_735 = arith.cmpi slt, %add3A_728, %sign3A_734 : i32
    %sign3A_736 = arith.extui %sign3A_735 : i1 to i32
    %sign3A_737 = arith.subi %sign3A_733, %sign3A_736 : i32
    %sign3A_738 = arith.constant 0 : i32
    %sign3A_739 = arith.cmpi sgt, %jit3A_729, %sign3A_738 : i32
    %sign3A_740 = arith.extui %sign3A_739 : i1 to i32
    %sign3A_741 = arith.constant 0 : i32
    %sign3A_742 = arith.cmpi slt, %jit3A_729, %sign3A_741 : i32
    %sign3A_743 = arith.extui %sign3A_742 : i1 to i32
    %sign3A_744 = arith.subi %sign3A_740, %sign3A_743 : i32
    %ne3A_745 = arith.cmpi ne, %sign3A_737, %sign3A_744 : i32
    %rem3A_746 = arith.remsi %add3A_728, %jit3A_729 : i32
    %ne3A_747 = arith.constant 0 : i32
    %ne3A_748 = arith.cmpi ne, %rem3A_746, %ne3A_747 : i32
    %and3A_749 = arith.andi %ne3A_745, %ne3A_748 : i1
    %sub3A_750 = arith.constant 1 : i32
    %sub3A_751 = arith.subi %div3A_730, %sub3A_750 : i32
    %select_n3A_752 = arith.select %and3A_749, %sub3A_751, %div3A_730 : i32
    %mul3A_753 = arith.constant 256 : i32
    %mul3A_754 = arith.muli %select_n3A_752, %mul3A_753 : i32
    %add3A_755 = arith.constant 64 : i32
    %add3A_756 = arith.addi %mul3A_754, %add3A_755 : i32
    %add3A_757 = vector.broadcast %add3A_756 : i32 to vector<16xi32>
    %add3A_758 = arith.addi %iota3A, %add3A_757 : vector<16xi32>
    %swap3A_759 = arith.constant 64 : index
    %swap3A_760 = tpu.vector_load %arg11[%swap3A_759] {strides = array<i32>} : memref<256xi32, #tpu.memory_space<vmem>>, vector<16xi32>,
    %swap3A_761 = vector.shape_cast %swap3A_760 : vector<16xi32> to vector<16xi32>
    %swap3A_762 = vector.shape_cast %add3A_758 : vector<16xi32> to vector<16xi32>
    tpu.vector_store %arg11[%swap3A_759], %swap3A_762 {strides = array<i32>} : memref<256xi32, #tpu.memory_space<vmem>>, vector<16xi32>,
    %add3A_763 = arith.constant 80 : i32
    %add3A_764 = arith.addi %mul3A_582, %add3A_763 : i32
    %jit3A_765 = arith.constant 128 : i32
    %div3A_766 = arith.divsi %add3A_764, %jit3A_765 : i32
    %sign3A_767 = arith.constant 0 : i32
    %sign3A_768 = arith.cmpi sgt, %add3A_764, %sign3A_767 : i32
    %sign3A_769 = arith.extui %sign3A_768 : i1 to i32
    %sign3A_770 = arith.constant 0 : i32
    %sign3A_771 = arith.cmpi slt, %add3A_764, %sign3A_770 : i32
    %sign3A_772 = arith.extui %sign3A_771 : i1 to i32
    %sign3A_773 = arith.subi %sign3A_769, %sign3A_772 : i32
    %sign3A_774 = arith.constant 0 : i32
    %sign3A_775 = arith.cmpi sgt, %jit3A_765, %sign3A_774 : i32
    %sign3A_776 = arith.extui %sign3A_775 : i1 to i32
    %sign3A_777 = arith.constant 0 : i32
    %sign3A_778 = arith.cmpi slt, %jit3A_765, %sign3A_777 : i32
    %sign3A_779 = arith.extui %sign3A_778 : i1 to i32
    %sign3A_780 = arith.subi %sign3A_776, %sign3A_779 : i32
    %ne3A_781 = arith.cmpi ne, %sign3A_773, %sign3A_780 : i32
    %rem3A_782 = arith.remsi %add3A_764, %jit3A_765 : i32
    %ne3A_783 = arith.constant 0 : i32
    %ne3A_784 = arith.cmpi ne, %rem3A_782, %ne3A_783 : i32
    %and3A_785 = arith.andi %ne3A_781, %ne3A_784 : i1
    %sub3A_786 = arith.constant 1 : i32
    %sub3A_787 = arith.subi %div3A_766, %sub3A_786 : i32
    %select_n3A_788 = arith.select %and3A_785, %sub3A_787, %div3A_766 : i32
    %mul3A_789 = arith.constant 256 : i32
    %mul3A_790 = arith.muli %select_n3A_788, %mul3A_789 : i32
    %add3A_791 = arith.constant 80 : i32
    %add3A_792 = arith.addi %mul3A_790, %add3A_791 : i32
    %add3A_793 = vector.broadcast %add3A_792 : i32 to vector<16xi32>
    %add3A_794 = arith.addi %iota3A, %add3A_793 : vector<16xi32>
    %swap3A_795 = arith.constant 80 : index
    %swap3A_796 = tpu.vector_load %arg11[%swap3A_795] {strides = array<i32>} : memref<256xi32, #tpu.memory_space<vmem>>, vector<16xi32>,
    %swap3A_797 = vector.shape_cast %swap3A_796 : vector<16xi32> to vector<16xi32>
    %swap3A_798 = vector.shape_cast %add3A_794 : vector<16xi32> to vector<16xi32>
    tpu.vector_store %arg11[%swap3A_795], %swap3A_798 {strides = array<i32>} : memref<256xi32, #tpu.memory_space<vmem>>, vector<16xi32>,
    %add3A_799 = arith.constant 96 : i32
    %add3A_800 = arith.addi %mul3A_582, %add3A_799 : i32
    %jit3A_801 = arith.constant 128 : i32
    %div3A_802 = arith.divsi %add3A_800, %jit3A_801 : i32
    %sign3A_803 = arith.constant 0 : i32
    %sign3A_804 = arith.cmpi sgt, %add3A_800, %sign3A_803 : i32
    %sign3A_805 = arith.extui %sign3A_804 : i1 to i32
    %sign3A_806 = arith.constant 0 : i32
    %sign3A_807 = arith.cmpi slt, %add3A_800, %sign3A_806 : i32
    %sign3A_808 = arith.extui %sign3A_807 : i1 to i32
    %sign3A_809 = arith.subi %sign3A_805, %sign3A_808 : i32
    %sign3A_810 = arith.constant 0 : i32
    %sign3A_811 = arith.cmpi sgt, %jit3A_801, %sign3A_810 : i32
    %sign3A_812 = arith.extui %sign3A_811 : i1 to i32
    %sign3A_813 = arith.constant 0 : i32
    %sign3A_814 = arith.cmpi slt, %jit3A_801, %sign3A_813 : i32
    %sign3A_815 = arith.extui %sign3A_814 : i1 to i32
    %sign3A_816 = arith.subi %sign3A_812, %sign3A_815 : i32
    %ne3A_817 = arith.cmpi ne, %sign3A_809, %sign3A_816 : i32
    %rem3A_818 = arith.remsi %add3A_800, %jit3A_801 : i32
    %ne3A_819 = arith.constant 0 : i32
    %ne3A_820 = arith.cmpi ne, %rem3A_818, %ne3A_819 : i32
    %and3A_821 = arith.andi %ne3A_817, %ne3A_820 : i1
    %sub3A_822 = arith.constant 1 : i32
    %sub3A_823 = arith.subi %div3A_802, %sub3A_822 : i32
    %select_n3A_824 = arith.select %and3A_821, %sub3A_823, %div3A_802 : i32
    %mul3A_825 = arith.constant 256 : i32
    %mul3A_826 = arith.muli %select_n3A_824, %mul3A_825 : i32
    %add3A_827 = arith.constant 96 : i32
    %add3A_828 = arith.addi %mul3A_826, %add3A_827 : i32
    %add3A_829 = vector.broadcast %add3A_828 : i32 to vector<16xi32>
    %add3A_830 = arith.addi %iota3A, %add3A_829 : vector<16xi32>
    %swap3A_831 = arith.constant 96 : index
    %swap3A_832 = tpu.vector_load %arg11[%swap3A_831] {strides = array<i32>} : memref<256xi32, #tpu.memory_space<vmem>>, vector<16xi32>,
    %swap3A_833 = vector.shape_cast %swap3A_832 : vector<16xi32> to vector<16xi32>
    %swap3A_834 = vector.shape_cast %add3A_830 : vector<16xi32> to vector<16xi32>
    tpu.vector_store %arg11[%swap3A_831], %swap3A_834 {strides = array<i32>} : memref<256xi32, #tpu.memory_space<vmem>>, vector<16xi32>,
    %add3A_835 = arith.constant 112 : i32
    %add3A_836 = arith.addi %mul3A_582, %add3A_835 : i32
    %jit3A_837 = arith.constant 128 : i32
    %div3A_838 = arith.divsi %add3A_836, %jit3A_837 : i32
    %sign3A_839 = arith.constant 0 : i32
    %sign3A_840 = arith.cmpi sgt, %add3A_836, %sign3A_839 : i32
    %sign3A_841 = arith.extui %sign3A_840 : i1 to i32
    %sign3A_842 = arith.constant 0 : i32
    %sign3A_843 = arith.cmpi slt, %add3A_836, %sign3A_842 : i32
    %sign3A_844 = arith.extui %sign3A_843 : i1 to i32
    %sign3A_845 = arith.subi %sign3A_841, %sign3A_844 : i32
    %sign3A_846 = arith.constant 0 : i32
    %sign3A_847 = arith.cmpi sgt, %jit3A_837, %sign3A_846 : i32
    %sign3A_848 = arith.extui %sign3A_847 : i1 to i32
    %sign3A_849 = arith.constant 0 : i32
    %sign3A_850 = arith.cmpi slt, %jit3A_837, %sign3A_849 : i32
    %sign3A_851 = arith.extui %sign3A_850 : i1 to i32
    %sign3A_852 = arith.subi %sign3A_848, %sign3A_851 : i32
    %ne3A_853 = arith.cmpi ne, %sign3A_845, %sign3A_852 : i32
    %rem3A_854 = arith.remsi %add3A_836, %jit3A_837 : i32
    %ne3A_855 = arith.constant 0 : i32
    %ne3A_856 = arith.cmpi ne, %rem3A_854, %ne3A_855 : i32
    %and3A_857 = arith.andi %ne3A_853, %ne3A_856 : i1
    %sub3A_858 = arith.constant 1 : i32
    %sub3A_859 = arith.subi %div3A_838, %sub3A_858 : i32
    %select_n3A_860 = arith.select %and3A_857, %sub3A_859, %div3A_838 : i32
    %mul3A_861 = arith.constant 256 : i32
    %mul3A_862 = arith.muli %select_n3A_860, %mul3A_861 : i32
    %add3A_863 = arith.constant 112 : i32
    %add3A_864 = arith.addi %mul3A_862, %add3A_863 : i32
    %add3A_865 = vector.broadcast %add3A_864 : i32 to vector<16xi32>
    %add3A_866 = arith.addi %iota3A, %add3A_865 : vector<16xi32>
    %swap3A_867 = arith.constant 112 : index
    %swap3A_868 = tpu.vector_load %arg11[%swap3A_867] {strides = array<i32>} : memref<256xi32, #tpu.memory_space<vmem>>, vector<16xi32>,
    %swap3A_869 = vector.shape_cast %swap3A_868 : vector<16xi32> to vector<16xi32>
    %swap3A_870 = vector.shape_cast %add3A_866 : vector<16xi32> to vector<16xi32>
    tpu.vector_store %arg11[%swap3A_867], %swap3A_870 {strides = array<i32>} : memref<256xi32, #tpu.memory_space<vmem>>, vector<16xi32>,
    %add3A_871 = arith.constant 128 : i32
    %add3A_872 = arith.addi %mul3A_582, %add3A_871 : i32
    %jit3A_873 = arith.constant 128 : i32
    %div3A_874 = arith.divsi %add3A_872, %jit3A_873 : i32
    %sign3A_875 = arith.constant 0 : i32
    %sign3A_876 = arith.cmpi sgt, %add3A_872, %sign3A_875 : i32
    %sign3A_877 = arith.extui %sign3A_876 : i1 to i32
    %sign3A_878 = arith.constant 0 : i32
    %sign3A_879 = arith.cmpi slt, %add3A_872, %sign3A_878 : i32
    %sign3A_880 = arith.extui %sign3A_879 : i1 to i32
    %sign3A_881 = arith.subi %sign3A_877, %sign3A_880 : i32
    %sign3A_882 = arith.constant 0 : i32
    %sign3A_883 = arith.cmpi sgt, %jit3A_873, %sign3A_882 : i32
    %sign3A_884 = arith.extui %sign3A_883 : i1 to i32
    %sign3A_885 = arith.constant 0 : i32
    %sign3A_886 = arith.cmpi slt, %jit3A_873, %sign3A_885 : i32
    %sign3A_887 = arith.extui %sign3A_886 : i1 to i32
    %sign3A_888 = arith.subi %sign3A_884, %sign3A_887 : i32
    %ne3A_889 = arith.cmpi ne, %sign3A_881, %sign3A_888 : i32
    %rem3A_890 = arith.remsi %add3A_872, %jit3A_873 : i32
    %ne3A_891 = arith.constant 0 : i32
    %ne3A_892 = arith.cmpi ne, %rem3A_890, %ne3A_891 : i32
    %and3A_893 = arith.andi %ne3A_889, %ne3A_892 : i1
    %sub3A_894 = arith.constant 1 : i32
    %sub3A_895 = arith.subi %div3A_874, %sub3A_894 : i32
    %select_n3A_896 = arith.select %and3A_893, %sub3A_895, %div3A_874 : i32
    %mul3A_897 = arith.constant 256 : i32
    %mul3A_898 = arith.muli %select_n3A_896, %mul3A_897 : i32
    %add3A_899 = arith.constant 0 : i32
    %add3A_900 = arith.addi %mul3A_898, %add3A_899 : i32
    %add3A_901 = vector.broadcast %add3A_900 : i32 to vector<16xi32>
    %add3A_902 = arith.addi %iota3A, %add3A_901 : vector<16xi32>
    %swap3A_903 = arith.constant 128 : index
    %swap3A_904 = tpu.vector_load %arg11[%swap3A_903] {strides = array<i32>} : memref<256xi32, #tpu.memory_space<vmem>>, vector<16xi32>,
    %swap3A_905 = vector.shape_cast %swap3A_904 : vector<16xi32> to vector<16xi32>
    %swap3A_906 = vector.shape_cast %add3A_902 : vector<16xi32> to vector<16xi32>
    tpu.vector_store %arg11[%swap3A_903], %swap3A_906 {strides = array<i32>} : memref<256xi32, #tpu.memory_space<vmem>>, vector<16xi32>,
    %add3A_907 = arith.constant 144 : i32
    %add3A_908 = arith.addi %mul3A_582, %add3A_907 : i32
    %jit3A_909 = arith.constant 128 : i32
    %div3A_910 = arith.divsi %add3A_908, %jit3A_909 : i32
    %sign3A_911 = arith.constant 0 : i32
    %sign3A_912 = arith.cmpi sgt, %add3A_908, %sign3A_911 : i32
    %sign3A_913 = arith.extui %sign3A_912 : i1 to i32
    %sign3A_914 = arith.constant 0 : i32
    %sign3A_915 = arith.cmpi slt, %add3A_908, %sign3A_914 : i32
    %sign3A_916 = arith.extui %sign3A_915 : i1 to i32
    %sign3A_917 = arith.subi %sign3A_913, %sign3A_916 : i32
    %sign3A_918 = arith.constant 0 : i32
    %sign3A_919 = arith.cmpi sgt, %jit3A_909, %sign3A_918 : i32
    %sign3A_920 = arith.extui %sign3A_919 : i1 to i32
    %sign3A_921 = arith.constant 0 : i32
    %sign3A_922 = arith.cmpi slt, %jit3A_909, %sign3A_921 : i32
    %sign3A_923 = arith.extui %sign3A_922 : i1 to i32
    %sign3A_924 = arith.subi %sign3A_920, %sign3A_923 : i32
    %ne3A_925 = arith.cmpi ne, %sign3A_917, %sign3A_924 : i32
    %rem3A_926 = arith.remsi %add3A_908, %jit3A_909 : i32
    %ne3A_927 = arith.constant 0 : i32
    %ne3A_928 = arith.cmpi ne, %rem3A_926, %ne3A_927 : i32
    %and3A_929 = arith.andi %ne3A_925, %ne3A_928 : i1
    %sub3A_930 = arith.constant 1 : i32
    %sub3A_931 = arith.subi %div3A_910, %sub3A_930 : i32
    %select_n3A_932 = arith.select %and3A_929, %sub3A_931, %div3A_910 : i32
    %mul3A_933 = arith.constant 256 : i32
    %mul3A_934 = arith.muli %select_n3A_932, %mul3A_933 : i32
    %add3A_935 = arith.constant 16 : i32
    %add3A_936 = arith.addi %mul3A_934, %add3A_935 : i32
    %add3A_937 = vector.broadcast %add3A_936 : i32 to vector<16xi32>
    %add3A_938 = arith.addi %iota3A, %add3A_937 : vector<16xi32>
    %swap3A_939 = arith.constant 144 : index
    %swap3A_940 = tpu.vector_load %arg11[%swap3A_939] {strides = array<i32>} : memref<256xi32, #tpu.memory_space<vmem>>, vector<16xi32>,
    %swap3A_941 = vector.shape_cast %swap3A_940 : vector<16xi32> to vector<16xi32>
    %swap3A_942 = vector.shape_cast %add3A_938 : vector<16xi32> to vector<16xi32>
    tpu.vector_store %arg11[%swap3A_939], %swap3A_942 {strides = array<i32>} : memref<256xi32, #tpu.memory_space<vmem>>, vector<16xi32>,
    %add3A_943 = arith.constant 160 : i32
    %add3A_944 = arith.addi %mul3A_582, %add3A_943 : i32
    %jit3A_945 = arith.constant 128 : i32
    %div3A_946 = arith.divsi %add3A_944, %jit3A_945 : i32
    %sign3A_947 = arith.constant 0 : i32
    %sign3A_948 = arith.cmpi sgt, %add3A_944, %sign3A_947 : i32
    %sign3A_949 = arith.extui %sign3A_948 : i1 to i32
    %sign3A_950 = arith.constant 0 : i32
    %sign3A_951 = arith.cmpi slt, %add3A_944, %sign3A_950 : i32
    %sign3A_952 = arith.extui %sign3A_951 : i1 to i32
    %sign3A_953 = arith.subi %sign3A_949, %sign3A_952 : i32
    %sign3A_954 = arith.constant 0 : i32
    %sign3A_955 = arith.cmpi sgt, %jit3A_945, %sign3A_954 : i32
    %sign3A_956 = arith.extui %sign3A_955 : i1 to i32
    %sign3A_957 = arith.constant 0 : i32
    %sign3A_958 = arith.cmpi slt, %jit3A_945, %sign3A_957 : i32
    %sign3A_959 = arith.extui %sign3A_958 : i1 to i32
    %sign3A_960 = arith.subi %sign3A_956, %sign3A_959 : i32
    %ne3A_961 = arith.cmpi ne, %sign3A_953, %sign3A_960 : i32
    %rem3A_962 = arith.remsi %add3A_944, %jit3A_945 : i32
    %ne3A_963 = arith.constant 0 : i32
    %ne3A_964 = arith.cmpi ne, %rem3A_962, %ne3A_963 : i32
    %and3A_965 = arith.andi %ne3A_961, %ne3A_964 : i1
    %sub3A_966 = arith.constant 1 : i32
    %sub3A_967 = arith.subi %div3A_946, %sub3A_966 : i32
    %select_n3A_968 = arith.select %and3A_965, %sub3A_967, %div3A_946 : i32
    %mul3A_969 = arith.constant 256 : i32
    %mul3A_970 = arith.muli %select_n3A_968, %mul3A_969 : i32
    %add3A_971 = arith.constant 32 : i32
    %add3A_972 = arith.addi %mul3A_970, %add3A_971 : i32
    %add3A_973 = vector.broadcast %add3A_972 : i32 to vector<16xi32>
    %add3A_974 = arith.addi %iota3A, %add3A_973 : vector<16xi32>
    %swap3A_975 = arith.constant 160 : index
    %swap3A_976 = tpu.vector_load %arg11[%swap3A_975] {strides = array<i32>} : memref<256xi32, #tpu.memory_space<vmem>>, vector<16xi32>,
    %swap3A_977 = vector.shape_cast %swap3A_976 : vector<16xi32> to vector<16xi32>
    %swap3A_978 = vector.shape_cast %add3A_974 : vector<16xi32> to vector<16xi32>
    tpu.vector_store %arg11[%swap3A_975], %swap3A_978 {strides = array<i32>} : memref<256xi32, #tpu.memory_space<vmem>>, vector<16xi32>,
    %add3A_979 = arith.constant 176 : i32
    %add3A_980 = arith.addi %mul3A_582, %add3A_979 : i32
    %jit3A_981 = arith.constant 128 : i32
    %div3A_982 = arith.divsi %add3A_980, %jit3A_981 : i32
    %sign3A_983 = arith.constant 0 : i32
    %sign3A_984 = arith.cmpi sgt, %add3A_980, %sign3A_983 : i32
    %sign3A_985 = arith.extui %sign3A_984 : i1 to i32
    %sign3A_986 = arith.constant 0 : i32
    %sign3A_987 = arith.cmpi slt, %add3A_980, %sign3A_986 : i32
    %sign3A_988 = arith.extui %sign3A_987 : i1 to i32
    %sign3A_989 = arith.subi %sign3A_985, %sign3A_988 : i32
    %sign3A_990 = arith.constant 0 : i32
    %sign3A_991 = arith.cmpi sgt, %jit3A_981, %sign3A_990 : i32
    %sign3A_992 = arith.extui %sign3A_991 : i1 to i32
    %sign3A_993 = arith.constant 0 : i32
    %sign3A_994 = arith.cmpi slt, %jit3A_981, %sign3A_993 : i32
    %sign3A_995 = arith.extui %sign3A_994 : i1 to i32
    %sign3A_996 = arith.subi %sign3A_992, %sign3A_995 : i32
    %ne3A_997 = arith.cmpi ne, %sign3A_989, %sign3A_996 : i32
    %rem3A_998 = arith.remsi %add3A_980, %jit3A_981 : i32
    %ne3A_999 = arith.constant 0 : i32
    %ne3A_1000 = arith.cmpi ne, %rem3A_998, %ne3A_999 : i32
    %and3A_1001 = arith.andi %ne3A_997, %ne3A_1000 : i1
    %sub3A_1002 = arith.constant 1 : i32
    %sub3A_1003 = arith.subi %div3A_982, %sub3A_1002 : i32
    %select_n3A_1004 = arith.select %and3A_1001, %sub3A_1003, %div3A_982 : i32
    %mul3A_1005 = arith.constant 256 : i32
    %mul3A_1006 = arith.muli %select_n3A_1004, %mul3A_1005 : i32
    %add3A_1007 = arith.constant 48 : i32
    %add3A_1008 = arith.addi %mul3A_1006, %add3A_1007 : i32
    %add3A_1009 = vector.broadcast %add3A_1008 : i32 to vector<16xi32>
    %add3A_1010 = arith.addi %iota3A, %add3A_1009 : vector<16xi32>
    %swap3A_1011 = arith.constant 176 : index
    %swap3A_1012 = tpu.vector_load %arg11[%swap3A_1011] {strides = array<i32>} : memref<256xi32, #tpu.memory_space<vmem>>, vector<16xi32>,
    %swap3A_1013 = vector.shape_cast %swap3A_1012 : vector<16xi32> to vector<16xi32>
    %swap3A_1014 = vector.shape_cast %add3A_1010 : vector<16xi32> to vector<16xi32>
    tpu.vector_store %arg11[%swap3A_1011], %swap3A_1014 {strides = array<i32>} : memref<256xi32, #tpu.memory_space<vmem>>, vector<16xi32>,
    %add3A_1015 = arith.constant 192 : i32
    %add3A_1016 = arith.addi %mul3A_582, %add3A_1015 : i32
    %jit3A_1017 = arith.constant 128 : i32
    %div3A_1018 = arith.divsi %add3A_1016, %jit3A_1017 : i32
    %sign3A_1019 = arith.constant 0 : i32
    %sign3A_1020 = arith.cmpi sgt, %add3A_1016, %sign3A_1019 : i32
    %sign3A_1021 = arith.extui %sign3A_1020 : i1 to i32
    %sign3A_1022 = arith.constant 0 : i32
    %sign3A_1023 = arith.cmpi slt, %add3A_1016, %sign3A_1022 : i32
    %sign3A_1024 = arith.extui %sign3A_1023 : i1 to i32
    %sign3A_1025 = arith.subi %sign3A_1021, %sign3A_1024 : i32
    %sign3A_1026 = arith.constant 0 : i32
    %sign3A_1027 = arith.cmpi sgt, %jit3A_1017, %sign3A_1026 : i32
    %sign3A_1028 = arith.extui %sign3A_1027 : i1 to i32
    %sign3A_1029 = arith.constant 0 : i32
    %sign3A_1030 = arith.cmpi slt, %jit3A_1017, %sign3A_1029 : i32
    %sign3A_1031 = arith.extui %sign3A_1030 : i1 to i32
    %sign3A_1032 = arith.subi %sign3A_1028, %sign3A_1031 : i32
    %ne3A_1033 = arith.cmpi ne, %sign3A_1025, %sign3A_1032 : i32
    %rem3A_1034 = arith.remsi %add3A_1016, %jit3A_1017 : i32
    %ne3A_1035 = arith.constant 0 : i32
    %ne3A_1036 = arith.cmpi ne, %rem3A_1034, %ne3A_1035 : i32
    %and3A_1037 = arith.andi %ne3A_1033, %ne3A_1036 : i1
    %sub3A_1038 = arith.constant 1 : i32
    %sub3A_1039 = arith.subi %div3A_1018, %sub3A_1038 : i32
    %select_n3A_1040 = arith.select %and3A_1037, %sub3A_1039, %div3A_1018 : i32
    %mul3A_1041 = arith.constant 256 : i32
    %mul3A_1042 = arith.muli %select_n3A_1040, %mul3A_1041 : i32
    %add3A_1043 = arith.constant 64 : i32
    %add3A_1044 = arith.addi %mul3A_1042, %add3A_1043 : i32
    %add3A_1045 = vector.broadcast %add3A_1044 : i32 to vector<16xi32>
    %add3A_1046 = arith.addi %iota3A, %add3A_1045 : vector<16xi32>
    %swap3A_1047 = arith.constant 192 : index
    %swap3A_1048 = tpu.vector_load %arg11[%swap3A_1047] {strides = array<i32>} : memref<256xi32, #tpu.memory_space<vmem>>, vector<16xi32>,
    %swap3A_1049 = vector.shape_cast %swap3A_1048 : vector<16xi32> to vector<16xi32>
    %swap3A_1050 = vector.shape_cast %add3A_1046 : vector<16xi32> to vector<16xi32>
    tpu.vector_store %arg11[%swap3A_1047], %swap3A_1050 {strides = array<i32>} : memref<256xi32, #tpu.memory_space<vmem>>, vector<16xi32>,
    %add3A_1051 = arith.constant 208 : i32
    %add3A_1052 = arith.addi %mul3A_582, %add3A_1051 : i32
    %jit3A_1053 = arith.constant 128 : i32
    %div3A_1054 = arith.divsi %add3A_1052, %jit3A_1053 : i32
    %sign3A_1055 = arith.constant 0 : i32
    %sign3A_1056 = arith.cmpi sgt, %add3A_1052, %sign3A_1055 : i32
    %sign3A_1057 = arith.extui %sign3A_1056 : i1 to i32
    %sign3A_1058 = arith.constant 0 : i32
    %sign3A_1059 = arith.cmpi slt, %add3A_1052, %sign3A_1058 : i32
    %sign3A_1060 = arith.extui %sign3A_1059 : i1 to i32
    %sign3A_1061 = arith.subi %sign3A_1057, %sign3A_1060 : i32
    %sign3A_1062 = arith.constant 0 : i32
    %sign3A_1063 = arith.cmpi sgt, %jit3A_1053, %sign3A_1062 : i32
    %sign3A_1064 = arith.extui %sign3A_1063 : i1 to i32
    %sign3A_1065 = arith.constant 0 : i32
    %sign3A_1066 = arith.cmpi slt, %jit3A_1053, %sign3A_1065 : i32
    %sign3A_1067 = arith.extui %sign3A_1066 : i1 to i32
    %sign3A_1068 = arith.subi %sign3A_1064, %sign3A_1067 : i32
    %ne3A_1069 = arith.cmpi ne, %sign3A_1061, %sign3A_1068 : i32
    %rem3A_1070 = arith.remsi %add3A_1052, %jit3A_1053 : i32
    %ne3A_1071 = arith.constant 0 : i32
    %ne3A_1072 = arith.cmpi ne, %rem3A_1070, %ne3A_1071 : i32
    %and3A_1073 = arith.andi %ne3A_1069, %ne3A_1072 : i1
    %sub3A_1074 = arith.constant 1 : i32
    %sub3A_1075 = arith.subi %div3A_1054, %sub3A_1074 : i32
    %select_n3A_1076 = arith.select %and3A_1073, %sub3A_1075, %div3A_1054 : i32
    %mul3A_1077 = arith.constant 256 : i32
    %mul3A_1078 = arith.muli %select_n3A_1076, %mul3A_1077 : i32
    %add3A_1079 = arith.constant 80 : i32
    %add3A_1080 = arith.addi %mul3A_1078, %add3A_1079 : i32
    %add3A_1081 = vector.broadcast %add3A_1080 : i32 to vector<16xi32>
    %add3A_1082 = arith.addi %iota3A, %add3A_1081 : vector<16xi32>
    %swap3A_1083 = arith.constant 208 : index
    %swap3A_1084 = tpu.vector_load %arg11[%swap3A_1083] {strides = array<i32>} : memref<256xi32, #tpu.memory_space<vmem>>, vector<16xi32>,
    %swap3A_1085 = vector.shape_cast %swap3A_1084 : vector<16xi32> to vector<16xi32>
    %swap3A_1086 = vector.shape_cast %add3A_1082 : vector<16xi32> to vector<16xi32>
    tpu.vector_store %arg11[%swap3A_1083], %swap3A_1086 {strides = array<i32>} : memref<256xi32, #tpu.memory_space<vmem>>, vector<16xi32>,
    %add3A_1087 = arith.constant 224 : i32
    %add3A_1088 = arith.addi %mul3A_582, %add3A_1087 : i32
    %jit3A_1089 = arith.constant 128 : i32
    %div3A_1090 = arith.divsi %add3A_1088, %jit3A_1089 : i32
    %sign3A_1091 = arith.constant 0 : i32
    %sign3A_1092 = arith.cmpi sgt, %add3A_1088, %sign3A_1091 : i32
    %sign3A_1093 = arith.extui %sign3A_1092 : i1 to i32
    %sign3A_1094 = arith.constant 0 : i32
    %sign3A_1095 = arith.cmpi slt, %add3A_1088, %sign3A_1094 : i32
    %sign3A_1096 = arith.extui %sign3A_1095 : i1 to i32
    %sign3A_1097 = arith.subi %sign3A_1093, %sign3A_1096 : i32
    %sign3A_1098 = arith.constant 0 : i32
    %sign3A_1099 = arith.cmpi sgt, %jit3A_1089, %sign3A_1098 : i32
    %sign3A_1100 = arith.extui %sign3A_1099 : i1 to i32
    %sign3A_1101 = arith.constant 0 : i32
    %sign3A_1102 = arith.cmpi slt, %jit3A_1089, %sign3A_1101 : i32
    %sign3A_1103 = arith.extui %sign3A_1102 : i1 to i32
    %sign3A_1104 = arith.subi %sign3A_1100, %sign3A_1103 : i32
    %ne3A_1105 = arith.cmpi ne, %sign3A_1097, %sign3A_1104 : i32
    %rem3A_1106 = arith.remsi %add3A_1088, %jit3A_1089 : i32
    %ne3A_1107 = arith.constant 0 : i32
    %ne3A_1108 = arith.cmpi ne, %rem3A_1106, %ne3A_1107 : i32
    %and3A_1109 = arith.andi %ne3A_1105, %ne3A_1108 : i1
    %sub3A_1110 = arith.constant 1 : i32
    %sub3A_1111 = arith.subi %div3A_1090, %sub3A_1110 : i32
    %select_n3A_1112 = arith.select %and3A_1109, %sub3A_1111, %div3A_1090 : i32
    %mul3A_1113 = arith.constant 256 : i32
    %mul3A_1114 = arith.muli %select_n3A_1112, %mul3A_1113 : i32
    %add3A_1115 = arith.constant 96 : i32
    %add3A_1116 = arith.addi %mul3A_1114, %add3A_1115 : i32
    %add3A_1117 = vector.broadcast %add3A_1116 : i32 to vector<16xi32>
    %add3A_1118 = arith.addi %iota3A, %add3A_1117 : vector<16xi32>
    %swap3A_1119 = arith.constant 224 : index
    %swap3A_1120 = tpu.vector_load %arg11[%swap3A_1119] {strides = array<i32>} : memref<256xi32, #tpu.memory_space<vmem>>, vector<16xi32>,
    %swap3A_1121 = vector.shape_cast %swap3A_1120 : vector<16xi32> to vector<16xi32>
    %swap3A_1122 = vector.shape_cast %add3A_1118 : vector<16xi32> to vector<16xi32>
    tpu.vector_store %arg11[%swap3A_1119], %swap3A_1122 {strides = array<i32>} : memref<256xi32, #tpu.memory_space<vmem>>, vector<16xi32>,
    %add3A_1123 = arith.constant 240 : i32
    %add3A_1124 = arith.addi %mul3A_582, %add3A_1123 : i32
    %jit3A_1125 = arith.constant 128 : i32
    %div3A_1126 = arith.divsi %add3A_1124, %jit3A_1125 : i32
    %sign3A_1127 = arith.constant 0 : i32
    %sign3A_1128 = arith.cmpi sgt, %add3A_1124, %sign3A_1127 : i32
    %sign3A_1129 = arith.extui %sign3A_1128 : i1 to i32
    %sign3A_1130 = arith.constant 0 : i32
    %sign3A_1131 = arith.cmpi slt, %add3A_1124, %sign3A_1130 : i32
    %sign3A_1132 = arith.extui %sign3A_1131 : i1 to i32
    %sign3A_1133 = arith.subi %sign3A_1129, %sign3A_1132 : i32
    %sign3A_1134 = arith.constant 0 : i32
    %sign3A_1135 = arith.cmpi sgt, %jit3A_1125, %sign3A_1134 : i32
    %sign3A_1136 = arith.extui %sign3A_1135 : i1 to i32
    %sign3A_1137 = arith.constant 0 : i32
    %sign3A_1138 = arith.cmpi slt, %jit3A_1125, %sign3A_1137 : i32
    %sign3A_1139 = arith.extui %sign3A_1138 : i1 to i32
    %sign3A_1140 = arith.subi %sign3A_1136, %sign3A_1139 : i32
    %ne3A_1141 = arith.cmpi ne, %sign3A_1133, %sign3A_1140 : i32
    %rem3A_1142 = arith.remsi %add3A_1124, %jit3A_1125 : i32
    %ne3A_1143 = arith.constant 0 : i32
    %ne3A_1144 = arith.cmpi ne, %rem3A_1142, %ne3A_1143 : i32
    %and3A_1145 = arith.andi %ne3A_1141, %ne3A_1144 : i1
    %sub3A_1146 = arith.constant 1 : i32
    %sub3A_1147 = arith.subi %div3A_1126, %sub3A_1146 : i32
    %select_n3A_1148 = arith.select %and3A_1145, %sub3A_1147, %div3A_1126 : i32
    %mul3A_1149 = arith.constant 256 : i32
    %mul3A_1150 = arith.muli %select_n3A_1148, %mul3A_1149 : i32
    %add3A_1151 = arith.constant 112 : i32
    %add3A_1152 = arith.addi %mul3A_1150, %add3A_1151 : i32
    %add3A_1153 = vector.broadcast %add3A_1152 : i32 to vector<16xi32>
    %add3A_1154 = arith.addi %iota3A, %add3A_1153 : vector<16xi32>
    %swap3A_1155 = arith.constant 240 : index
    %swap3A_1156 = tpu.vector_load %arg11[%swap3A_1155] {strides = array<i32>} : memref<256xi32, #tpu.memory_space<vmem>>, vector<16xi32>,
    %swap3A_1157 = vector.shape_cast %swap3A_1156 : vector<16xi32> to vector<16xi32>
    %swap3A_1158 = vector.shape_cast %add3A_1154 : vector<16xi32> to vector<16xi32>
    tpu.vector_store %arg11[%swap3A_1155], %swap3A_1158 {strides = array<i32>} : memref<256xi32, #tpu.memory_space<vmem>>, vector<16xi32>,
    %mul3A_1159 = arith.constant 256 : i32
    %mul3A_1160 = arith.muli %mul3A_1159, %add3A : i32
    "tpu.region"() ({
      %run_scoped3A = tpu.sem_alloc : memref<!tpu.dma_semaphore, #tpu.memory_space<semaphore_mem>>
      %dma_start3A = tpu.memref_slice %arg6[%mul3A_1160] : memref<8192xi32, #tpu.memory_space<hbm>> -> memref<256xi32, #tpu.memory_space<hbm>>
      %dma_start3A_1161 = tpu.memref_slice %arg6[%mul3A_1160] : memref<8192xi32, #tpu.memory_space<hbm>> -> memref<256xi32, #tpu.memory_space<hbm>>
      tpu.enqueue_dma source(%arg11 : memref<256xi32, #tpu.memory_space<vmem>>) target(%dma_start3A_1161 : memref<256xi32, #tpu.memory_space<hbm>>) target_semaphore(%run_scoped3A : memref<!tpu.dma_semaphore, #tpu.memory_space<semaphore_mem>>)
      %dma_wait3A = tpu.memref_slice %arg6[%mul3A_1160] : memref<8192xi32, #tpu.memory_space<hbm>> -> memref<256xi32, #tpu.memory_space<hbm>>
      %dma_wait3A_1162 = tpu.memref_slice %arg6[%mul3A_1160] : memref<8192xi32, #tpu.memory_space<hbm>> -> memref<256xi32, #tpu.memory_space<hbm>>
      tpu.wait_dma2 semaphore(%run_scoped3A : memref<!tpu.dma_semaphore, #tpu.memory_space<semaphore_mem>>) src(%arg11 : memref<256xi32, #tpu.memory_space<vmem>>) dst(%dma_wait3A_1162 : memref<256xi32, #tpu.memory_space<hbm>>)
      tpu.yield
    }) : () -> ()
    return
  }
}

module attributes {stable_mosaic.version = 14 : i64} {
  func.func @_fused_kernel(%arg0: i32, %arg1: memref<4x8x128xf32, #tpu.memory_space<vmem>>, %arg2: memref<4x8x2048xf32, #tpu.memory_space<vmem>>, %arg3: memref<512x2348xf32, #tpu.memory_space<vmem>>, %arg4: memref<4x8x2048xf32, #tpu.memory_space<vmem>>) attributes {dimension_semantics = [#tpu.dimension_semantics<arbitrary>], iteration_bounds = array<i64: 5>, scalar_prefetch = 0 : i64, scratch_operands = 0 : i64, tpu.core_type = #tpu.core_type<tc>, window_params = [{pipeline_mode = #tpu.pipeline_mode<synchronous>, transform_indices = @transform_0, window_bounds = array<i64: 4, 8, 128>}, {pipeline_mode = #tpu.pipeline_mode<synchronous>, transform_indices = @transform_1, window_bounds = array<i64: 4, 8, 2048>}, {transform_indices = @transform_2, window_bounds = array<i64: 512, 2348>}, {pipeline_mode = #tpu.pipeline_mode<synchronous>, transform_indices = @transform_3, window_bounds = array<i64: 4, 8, 2048>}]} {
    %iota3A = tpu.iota {dimensions = array<i32: 1>} : vector<1x2348xi32>
    %mul3A = arith.constant 2 : i32
    %mul3A_0 = arith.muli %arg0, %mul3A : i32
    %add3A = arith.constant 0 : i32
    %add3A_1 = arith.addi %mul3A_0, %add3A : i32
    %lt3A = arith.constant 2048 : i32
    %lt3A_2 = vector.broadcast %lt3A : i32 to vector<1x2348xi32>
    %lt3A_3 = arith.cmpi slt, %iota3A, %lt3A_2 : vector<1x2348xi32>
    %ge3A = arith.constant 8 : i32
    %ge3A_4 = arith.cmpi sge, %add3A_1, %ge3A : i32
    %jit3A = arith.constant 256 : i32
    %div3A = vector.broadcast %jit3A : i32 to vector<1x2348xi32>
    %div3A_5 = arith.divsi %iota3A, %div3A : vector<1x2348xi32>
    %sign3A = arith.constant 0 : i32
    %sign3A_6 = vector.broadcast %sign3A : i32 to vector<1x2348xi32>
    %sign3A_7 = arith.cmpi sgt, %iota3A, %sign3A_6 : vector<1x2348xi32>
    %sign3A_8 = arith.extui %sign3A_7 : vector<1x2348xi1> to vector<1x2348xi32>
    %sign3A_9 = arith.constant 0 : i32
    %sign3A_10 = vector.broadcast %sign3A_9 : i32 to vector<1x2348xi32>
    %sign3A_11 = arith.cmpi slt, %iota3A, %sign3A_10 : vector<1x2348xi32>
    %sign3A_12 = arith.extui %sign3A_11 : vector<1x2348xi1> to vector<1x2348xi32>
    %sign3A_13 = arith.subi %sign3A_8, %sign3A_12 : vector<1x2348xi32>
    %sign3A_14 = arith.constant 0 : i32
    %sign3A_15 = arith.cmpi sgt, %jit3A, %sign3A_14 : i32
    %sign3A_16 = arith.extui %sign3A_15 : i1 to i32
    %sign3A_17 = arith.constant 0 : i32
    %sign3A_18 = arith.cmpi slt, %jit3A, %sign3A_17 : i32
    %sign3A_19 = arith.extui %sign3A_18 : i1 to i32
    %sign3A_20 = arith.subi %sign3A_16, %sign3A_19 : i32
    %ne3A = vector.broadcast %sign3A_20 : i32 to vector<1x2348xi32>
    %ne3A_21 = arith.cmpi ne, %sign3A_13, %ne3A : vector<1x2348xi32>
    %rem3A = vector.broadcast %jit3A : i32 to vector<1x2348xi32>
    %rem3A_22 = arith.remsi %iota3A, %rem3A : vector<1x2348xi32>
    %ne3A_23 = arith.constant 0 : i32
    %ne3A_24 = vector.broadcast %ne3A_23 : i32 to vector<1x2348xi32>
    %ne3A_25 = arith.cmpi ne, %rem3A_22, %ne3A_24 : vector<1x2348xi32>
    %and3A = arith.andi %ne3A_21, %ne3A_25 : vector<1x2348xi1>
    %sub3A = arith.constant 1 : i32
    %sub3A_26 = vector.broadcast %sub3A : i32 to vector<1x2348xi32>
    %sub3A_27 = arith.subi %div3A_5, %sub3A_26 : vector<1x2348xi32>
    %select_n3A = arith.select %and3A, %sub3A_27, %div3A_5 : vector<1x2348xi1>, vector<1x2348xi32>
    %ne3A_28 = vector.broadcast %add3A_1 : i32 to vector<1x2348xi32>
    %ne3A_29 = arith.cmpi ne, %select_n3A, %ne3A_28 : vector<1x2348xi32>
    %or3A = vector.broadcast %ge3A_4 : i1 to vector<1x2348xi1>
    %or3A_30 = arith.ori %or3A, %ne3A_29 : vector<1x2348xi1>
    %and3A_31 = arith.andi %lt3A_3, %or3A_30 : vector<1x2348xi1>
    %convert_element_type3A = arith.extui %and3A_31 : vector<1x2348xi1> to vector<1x2348xi32>
    %convert_element_type3A_32 = arith.sitofp %convert_element_type3A : vector<1x2348xi32> to vector<1x2348xf32>
    %broadcast_in_dim3A = vector.shape_cast %convert_element_type3A_32 : vector<1x2348xf32> to vector<1x2348xf32>
    %broadcast_in_dim3A_33 = vector.broadcast %broadcast_in_dim3A : vector<1x2348xf32> to vector<256x2348xf32>
    %mul3A_34 = arith.constant 2 : i32
    %mul3A_35 = arith.muli %arg0, %mul3A_34 : i32
    %add3A_36 = arith.constant 1 : i32
    %add3A_37 = arith.addi %mul3A_35, %add3A_36 : i32
    %lt3A_38 = arith.constant 2048 : i32
    %lt3A_39 = vector.broadcast %lt3A_38 : i32 to vector<1x2348xi32>
    %lt3A_40 = arith.cmpi slt, %iota3A, %lt3A_39 : vector<1x2348xi32>
    %ge3A_41 = arith.constant 8 : i32
    %ge3A_42 = arith.cmpi sge, %add3A_37, %ge3A_41 : i32
    %jit3A_43 = arith.constant 256 : i32
    %div3A_44 = vector.broadcast %jit3A_43 : i32 to vector<1x2348xi32>
    %div3A_45 = arith.divsi %iota3A, %div3A_44 : vector<1x2348xi32>
    %sign3A_46 = arith.constant 0 : i32
    %sign3A_47 = vector.broadcast %sign3A_46 : i32 to vector<1x2348xi32>
    %sign3A_48 = arith.cmpi sgt, %iota3A, %sign3A_47 : vector<1x2348xi32>
    %sign3A_49 = arith.extui %sign3A_48 : vector<1x2348xi1> to vector<1x2348xi32>
    %sign3A_50 = arith.constant 0 : i32
    %sign3A_51 = vector.broadcast %sign3A_50 : i32 to vector<1x2348xi32>
    %sign3A_52 = arith.cmpi slt, %iota3A, %sign3A_51 : vector<1x2348xi32>
    %sign3A_53 = arith.extui %sign3A_52 : vector<1x2348xi1> to vector<1x2348xi32>
    %sign3A_54 = arith.subi %sign3A_49, %sign3A_53 : vector<1x2348xi32>
    %sign3A_55 = arith.constant 0 : i32
    %sign3A_56 = arith.cmpi sgt, %jit3A_43, %sign3A_55 : i32
    %sign3A_57 = arith.extui %sign3A_56 : i1 to i32
    %sign3A_58 = arith.constant 0 : i32
    %sign3A_59 = arith.cmpi slt, %jit3A_43, %sign3A_58 : i32
    %sign3A_60 = arith.extui %sign3A_59 : i1 to i32
    %sign3A_61 = arith.subi %sign3A_57, %sign3A_60 : i32
    %ne3A_62 = vector.broadcast %sign3A_61 : i32 to vector<1x2348xi32>
    %ne3A_63 = arith.cmpi ne, %sign3A_54, %ne3A_62 : vector<1x2348xi32>
    %rem3A_64 = vector.broadcast %jit3A_43 : i32 to vector<1x2348xi32>
    %rem3A_65 = arith.remsi %iota3A, %rem3A_64 : vector<1x2348xi32>
    %ne3A_66 = arith.constant 0 : i32
    %ne3A_67 = vector.broadcast %ne3A_66 : i32 to vector<1x2348xi32>
    %ne3A_68 = arith.cmpi ne, %rem3A_65, %ne3A_67 : vector<1x2348xi32>
    %and3A_69 = arith.andi %ne3A_63, %ne3A_68 : vector<1x2348xi1>
    %sub3A_70 = arith.constant 1 : i32
    %sub3A_71 = vector.broadcast %sub3A_70 : i32 to vector<1x2348xi32>
    %sub3A_72 = arith.subi %div3A_45, %sub3A_71 : vector<1x2348xi32>
    %select_n3A_73 = arith.select %and3A_69, %sub3A_72, %div3A_45 : vector<1x2348xi1>, vector<1x2348xi32>
    %ne3A_74 = vector.broadcast %add3A_37 : i32 to vector<1x2348xi32>
    %ne3A_75 = arith.cmpi ne, %select_n3A_73, %ne3A_74 : vector<1x2348xi32>
    %or3A_76 = vector.broadcast %ge3A_42 : i1 to vector<1x2348xi1>
    %or3A_77 = arith.ori %or3A_76, %ne3A_75 : vector<1x2348xi1>
    %and3A_78 = arith.andi %lt3A_40, %or3A_77 : vector<1x2348xi1>
    %convert_element_type3A_79 = arith.extui %and3A_78 : vector<1x2348xi1> to vector<1x2348xi32>
    %convert_element_type3A_80 = arith.sitofp %convert_element_type3A_79 : vector<1x2348xi32> to vector<1x2348xf32>
    %broadcast_in_dim3A_81 = vector.shape_cast %convert_element_type3A_80 : vector<1x2348xf32> to vector<1x2348xf32>
    %broadcast_in_dim3A_82 = vector.broadcast %broadcast_in_dim3A_81 : vector<1x2348xf32> to vector<256x2348xf32>
    %concatenate3A = tpu.concatenate %broadcast_in_dim3A_33, %broadcast_in_dim3A_82 in 0 : vector<256x2348xf32>, vector<256x2348xf32> -> vector<512x2348xf32>
    %swap3A = arith.constant 0 : index
    %swap3A_83 = arith.constant 0 : index
    %swap3A_84 = vector.load %arg3[%swap3A, %swap3A_83] : memref<512x2348xf32, #tpu.memory_space<vmem>>, vector<512x2348xf32>
    tpu.vector_store %arg3[%swap3A, %swap3A_83], %concatenate3A {strides = array<i32>} : memref<512x2348xf32, #tpu.memory_space<vmem>>, vector<512x2348xf32>,
    %eq3A = arith.constant 0 : i32
    %eq3A_85 = arith.cmpi eq, %arg0, %eq3A : i32
    %convert_element_type3A_86 = arith.extui %eq3A_85 : i1 to i32
    %cond3A = arith.constant 0 : i32
    %cond3A_87 = arith.cmpi ne, %convert_element_type3A_86, %cond3A : i32
    scf.if %cond3A_87 {
      %get3A = arith.constant 0 : index
      %get3A_88 = arith.constant 0 : index
      %get3A_89 = arith.constant 0 : index
      %get3A_90 = vector.load %arg1[%get3A, %get3A_88, %get3A_89] : memref<4x8x128xf32, #tpu.memory_space<vmem>>, vector<1x8x128xf32>
      %get3A_91 = vector.shape_cast %get3A_90 : vector<1x8x128xf32> to vector<8x128xf32>
      %concatenate3A_92 = tpu.concatenate %get3A_91, %get3A_91, %get3A_91, %get3A_91, %get3A_91, %get3A_91, %get3A_91, %get3A_91, %get3A_91, %get3A_91, %get3A_91, %get3A_91, %get3A_91, %get3A_91, %get3A_91, %get3A_91 in 1 : vector<8x128xf32>, vector<8x128xf32>, vector<8x128xf32>, vector<8x128xf32>, vector<8x128xf32>, vector<8x128xf32>, vector<8x128xf32>, vector<8x128xf32>, vector<8x128xf32>, vector<8x128xf32>, vector<8x128xf32>, vector<8x128xf32>, vector<8x128xf32>, vector<8x128xf32>, vector<8x128xf32>, vector<8x128xf32> -> vector<8x2048xf32>
      %get3A_93 = arith.constant 1 : index
      %get3A_94 = arith.constant 0 : index
      %get3A_95 = arith.constant 0 : index
      %get3A_96 = vector.load %arg1[%get3A_93, %get3A_94, %get3A_95] : memref<4x8x128xf32, #tpu.memory_space<vmem>>, vector<1x8x128xf32>
      %get3A_97 = vector.shape_cast %get3A_96 : vector<1x8x128xf32> to vector<8x128xf32>
      %concatenate3A_98 = tpu.concatenate %get3A_97, %get3A_97, %get3A_97, %get3A_97, %get3A_97, %get3A_97, %get3A_97, %get3A_97, %get3A_97, %get3A_97, %get3A_97, %get3A_97, %get3A_97, %get3A_97, %get3A_97, %get3A_97 in 1 : vector<8x128xf32>, vector<8x128xf32>, vector<8x128xf32>, vector<8x128xf32>, vector<8x128xf32>, vector<8x128xf32>, vector<8x128xf32>, vector<8x128xf32>, vector<8x128xf32>, vector<8x128xf32>, vector<8x128xf32>, vector<8x128xf32>, vector<8x128xf32>, vector<8x128xf32>, vector<8x128xf32>, vector<8x128xf32> -> vector<8x2048xf32>
      %get3A_99 = arith.constant 2 : index
      %get3A_100 = arith.constant 0 : index
      %get3A_101 = arith.constant 0 : index
      %get3A_102 = vector.load %arg1[%get3A_99, %get3A_100, %get3A_101] : memref<4x8x128xf32, #tpu.memory_space<vmem>>, vector<1x8x128xf32>
      %get3A_103 = vector.shape_cast %get3A_102 : vector<1x8x128xf32> to vector<8x128xf32>
      %concatenate3A_104 = tpu.concatenate %get3A_103, %get3A_103, %get3A_103, %get3A_103, %get3A_103, %get3A_103, %get3A_103, %get3A_103, %get3A_103, %get3A_103, %get3A_103, %get3A_103, %get3A_103, %get3A_103, %get3A_103, %get3A_103 in 1 : vector<8x128xf32>, vector<8x128xf32>, vector<8x128xf32>, vector<8x128xf32>, vector<8x128xf32>, vector<8x128xf32>, vector<8x128xf32>, vector<8x128xf32>, vector<8x128xf32>, vector<8x128xf32>, vector<8x128xf32>, vector<8x128xf32>, vector<8x128xf32>, vector<8x128xf32>, vector<8x128xf32>, vector<8x128xf32> -> vector<8x2048xf32>
      %get3A_105 = arith.constant 3 : index
      %get3A_106 = arith.constant 0 : index
      %get3A_107 = arith.constant 0 : index
      %get3A_108 = vector.load %arg1[%get3A_105, %get3A_106, %get3A_107] : memref<4x8x128xf32, #tpu.memory_space<vmem>>, vector<1x8x128xf32>
      %get3A_109 = vector.shape_cast %get3A_108 : vector<1x8x128xf32> to vector<8x128xf32>
      %concatenate3A_110 = tpu.concatenate %get3A_109, %get3A_109, %get3A_109, %get3A_109, %get3A_109, %get3A_109, %get3A_109, %get3A_109, %get3A_109, %get3A_109, %get3A_109, %get3A_109, %get3A_109, %get3A_109, %get3A_109, %get3A_109 in 1 : vector<8x128xf32>, vector<8x128xf32>, vector<8x128xf32>, vector<8x128xf32>, vector<8x128xf32>, vector<8x128xf32>, vector<8x128xf32>, vector<8x128xf32>, vector<8x128xf32>, vector<8x128xf32>, vector<8x128xf32>, vector<8x128xf32>, vector<8x128xf32>, vector<8x128xf32>, vector<8x128xf32>, vector<8x128xf32> -> vector<8x2048xf32>
      %mul3A_111 = arith.constant 5.000000e-01 : f32
      %mul3A_112 = vector.broadcast %mul3A_111 : f32 to vector<8x2048xf32>
      %mul3A_113 = arith.mulf %mul3A_112, %concatenate3A_104 : vector<8x2048xf32>
      %mul3A_114 = arith.constant 5.000000e-01 : f32
      %mul3A_115 = vector.broadcast %mul3A_114 : f32 to vector<8x2048xf32>
      %mul3A_116 = arith.mulf %mul3A_115, %concatenate3A_110 : vector<8x2048xf32>
      %sub3A_117 = arith.subf %concatenate3A_92, %mul3A_113 : vector<8x2048xf32>
      %sub3A_118 = arith.subf %concatenate3A_98, %mul3A_116 : vector<8x2048xf32>
      %add3A_119 = arith.addf %concatenate3A_92, %mul3A_113 : vector<8x2048xf32>
      %add3A_120 = arith.addf %concatenate3A_98, %mul3A_116 : vector<8x2048xf32>
      %mul3A_121 = arith.constant 1.000000e+00 : f32
      %mul3A_122 = vector.broadcast %mul3A_121 : f32 to vector<8x2048xf32>
      %mul3A_123 = arith.mulf %mul3A_113, %mul3A_122 : vector<8x2048xf32>
      %mul3A_124 = arith.constant 1.000000e+00 : f32
      %mul3A_125 = vector.broadcast %mul3A_124 : f32 to vector<8x2048xf32>
      %mul3A_126 = arith.mulf %mul3A_116, %mul3A_125 : vector<8x2048xf32>
      %mul3A_127 = arith.constant 1.000000e+00 : f32
      %mul3A_128 = vector.broadcast %mul3A_127 : f32 to vector<8x2048xf32>
      %mul3A_129 = arith.mulf %mul3A_113, %mul3A_128 : vector<8x2048xf32>
      %mul3A_130 = arith.constant 1.000000e+00 : f32
      %mul3A_131 = vector.broadcast %mul3A_130 : f32 to vector<8x2048xf32>
      %mul3A_132 = arith.mulf %mul3A_116, %mul3A_131 : vector<8x2048xf32>
      %get3A_133 = arith.constant 0 : index
      %get3A_134 = arith.constant 0 : index
      %get3A_135 = arith.constant 0 : index
      %get3A_136 = vector.load %arg2[%get3A_133, %get3A_134, %get3A_135] : memref<4x8x2048xf32, #tpu.memory_space<vmem>>, vector<1x8x2048xf32>
      %get3A_137 = vector.shape_cast %get3A_136 : vector<1x8x2048xf32> to vector<8x2048xf32>
      %mul3A_138 = arith.mulf %get3A_137, %mul3A_123 : vector<8x2048xf32>
      %add3A_139 = arith.addf %sub3A_117, %mul3A_138 : vector<8x2048xf32>
      %jit3A_140 = arith.constant 0.000000e+00 : f32
      %jit3A_141 = arith.constant 1.000000e+00 : f32
      %max3A = vector.broadcast %jit3A_140 : f32 to vector<8x2048xf32>
      %max3A_142 = arith.maximumf %max3A, %add3A_139 : vector<8x2048xf32>
      %min3A = vector.broadcast %jit3A_141 : f32 to vector<8x2048xf32>
      %min3A_143 = arith.minimumf %min3A, %max3A_142 : vector<8x2048xf32>
      %get3A_144 = arith.constant 1 : index
      %get3A_145 = arith.constant 0 : index
      %get3A_146 = arith.constant 0 : index
      %get3A_147 = vector.load %arg2[%get3A_144, %get3A_145, %get3A_146] : memref<4x8x2048xf32, #tpu.memory_space<vmem>>, vector<1x8x2048xf32>
      %get3A_148 = vector.shape_cast %get3A_147 : vector<1x8x2048xf32> to vector<8x2048xf32>
      %mul3A_149 = arith.mulf %get3A_148, %mul3A_126 : vector<8x2048xf32>
      %add3A_150 = arith.addf %sub3A_118, %mul3A_149 : vector<8x2048xf32>
      %jit3A_151 = arith.constant 0.000000e+00 : f32
      %jit3A_152 = arith.constant 1.000000e+00 : f32
      %max3A_153 = vector.broadcast %jit3A_151 : f32 to vector<8x2048xf32>
      %max3A_154 = arith.maximumf %max3A_153, %add3A_150 : vector<8x2048xf32>
      %min3A_155 = vector.broadcast %jit3A_152 : f32 to vector<8x2048xf32>
      %min3A_156 = arith.minimumf %min3A_155, %max3A_154 : vector<8x2048xf32>
      %get3A_157 = arith.constant 2 : index
      %get3A_158 = arith.constant 0 : index
      %get3A_159 = arith.constant 0 : index
      %get3A_160 = vector.load %arg2[%get3A_157, %get3A_158, %get3A_159] : memref<4x8x2048xf32, #tpu.memory_space<vmem>>, vector<1x8x2048xf32>
      %get3A_161 = vector.shape_cast %get3A_160 : vector<1x8x2048xf32> to vector<8x2048xf32>
      %mul3A_162 = arith.mulf %get3A_161, %mul3A_129 : vector<8x2048xf32>
      %add3A_163 = arith.addf %add3A_119, %mul3A_162 : vector<8x2048xf32>
      %jit3A_164 = arith.constant 0.000000e+00 : f32
      %jit3A_165 = arith.constant 1.000000e+00 : f32
      %max3A_166 = vector.broadcast %jit3A_164 : f32 to vector<8x2048xf32>
      %max3A_167 = arith.maximumf %max3A_166, %add3A_163 : vector<8x2048xf32>
      %min3A_168 = vector.broadcast %jit3A_165 : f32 to vector<8x2048xf32>
      %min3A_169 = arith.minimumf %min3A_168, %max3A_167 : vector<8x2048xf32>
      %get3A_170 = arith.constant 3 : index
      %get3A_171 = arith.constant 0 : index
      %get3A_172 = arith.constant 0 : index
      %get3A_173 = vector.load %arg2[%get3A_170, %get3A_171, %get3A_172] : memref<4x8x2048xf32, #tpu.memory_space<vmem>>, vector<1x8x2048xf32>
      %get3A_174 = vector.shape_cast %get3A_173 : vector<1x8x2048xf32> to vector<8x2048xf32>
      %mul3A_175 = arith.mulf %get3A_174, %mul3A_132 : vector<8x2048xf32>
      %add3A_176 = arith.addf %add3A_120, %mul3A_175 : vector<8x2048xf32>
      %jit3A_177 = arith.constant 0.000000e+00 : f32
      %jit3A_178 = arith.constant 1.000000e+00 : f32
      %max3A_179 = vector.broadcast %jit3A_177 : f32 to vector<8x2048xf32>
      %max3A_180 = arith.maximumf %max3A_179, %add3A_176 : vector<8x2048xf32>
      %min3A_181 = vector.broadcast %jit3A_178 : f32 to vector<8x2048xf32>
      %min3A_182 = arith.minimumf %min3A_181, %max3A_180 : vector<8x2048xf32>
      %add3A_183 = arith.addf %min3A_143, %min3A_169 : vector<8x2048xf32>
      %mul3A_184 = arith.constant 5.000000e-01 : f32
      %mul3A_185 = vector.broadcast %mul3A_184 : f32 to vector<8x2048xf32>
      %mul3A_186 = arith.mulf %add3A_183, %mul3A_185 : vector<8x2048xf32>
      %add3A_187 = arith.addf %min3A_156, %min3A_182 : vector<8x2048xf32>
      %mul3A_188 = arith.constant 5.000000e-01 : f32
      %mul3A_189 = vector.broadcast %mul3A_188 : f32 to vector<8x2048xf32>
      %mul3A_190 = arith.mulf %add3A_187, %mul3A_189 : vector<8x2048xf32>
      %sub3A_191 = arith.subf %min3A_169, %min3A_143 : vector<8x2048xf32>
      %sub3A_192 = arith.subf %min3A_182, %min3A_156 : vector<8x2048xf32>
      %jit3A_193 = arith.constant 0.000000e+00 : f32
      %jit3A_194 = arith.constant 1.000000e+00 : f32
      %max3A_195 = vector.broadcast %jit3A_193 : f32 to vector<8x2048xf32>
      %max3A_196 = arith.maximumf %max3A_195, %mul3A_186 : vector<8x2048xf32>
      %min3A_197 = vector.broadcast %jit3A_194 : f32 to vector<8x2048xf32>
      %min3A_198 = arith.minimumf %min3A_197, %max3A_196 : vector<8x2048xf32>
      %max3A_199 = arith.constant 9.99999974E-6 : f32
      %max3A_200 = vector.broadcast %max3A_199 : f32 to vector<8x2048xf32>
      %max3A_201 = arith.maximumf %min3A_198, %max3A_200 : vector<8x2048xf32>
      %sub3A_202 = arith.constant 1.000000e+00 : f32
      %sub3A_203 = vector.broadcast %sub3A_202 : f32 to vector<8x2048xf32>
      %sub3A_204 = arith.subf %sub3A_203, %min3A_198 : vector<8x2048xf32>
      %max3A_205 = arith.constant 9.99999974E-6 : f32
      %max3A_206 = vector.broadcast %max3A_205 : f32 to vector<8x2048xf32>
      %max3A_207 = arith.maximumf %sub3A_204, %max3A_206 : vector<8x2048xf32>
      %div3A_208 = arith.divf %max3A_201, %max3A_207 : vector<8x2048xf32>
      %log3A = math.log %div3A_208 : vector<8x2048xf32>
      %swap3A_209 = arith.constant 0 : index
      %swap3A_210 = arith.constant 0 : index
      %swap3A_211 = arith.constant 0 : index
      %swap3A_212 = vector.load %arg4[%swap3A_209, %swap3A_210, %swap3A_211] : memref<4x8x2048xf32, #tpu.memory_space<vmem>>, vector<1x8x2048xf32>
      %swap3A_213 = vector.shape_cast %swap3A_212 : vector<1x8x2048xf32> to vector<8x2048xf32>
      %swap3A_214 = vector.shape_cast %log3A : vector<8x2048xf32> to vector<1x8x2048xf32>
      tpu.vector_store %arg4[%swap3A_209, %swap3A_210, %swap3A_211], %swap3A_214 {strides = array<i32>} : memref<4x8x2048xf32, #tpu.memory_space<vmem>>, vector<1x8x2048xf32>,
      %jit3A_215 = arith.constant 0.000000e+00 : f32
      %jit3A_216 = arith.constant 1.000000e+00 : f32
      %max3A_217 = vector.broadcast %jit3A_215 : f32 to vector<8x2048xf32>
      %max3A_218 = arith.maximumf %max3A_217, %mul3A_190 : vector<8x2048xf32>
      %min3A_219 = vector.broadcast %jit3A_216 : f32 to vector<8x2048xf32>
      %min3A_220 = arith.minimumf %min3A_219, %max3A_218 : vector<8x2048xf32>
      %max3A_221 = arith.constant 9.99999974E-6 : f32
      %max3A_222 = vector.broadcast %max3A_221 : f32 to vector<8x2048xf32>
      %max3A_223 = arith.maximumf %min3A_220, %max3A_222 : vector<8x2048xf32>
      %sub3A_224 = arith.constant 1.000000e+00 : f32
      %sub3A_225 = vector.broadcast %sub3A_224 : f32 to vector<8x2048xf32>
      %sub3A_226 = arith.subf %sub3A_225, %min3A_220 : vector<8x2048xf32>
      %max3A_227 = arith.constant 9.99999974E-6 : f32
      %max3A_228 = vector.broadcast %max3A_227 : f32 to vector<8x2048xf32>
      %max3A_229 = arith.maximumf %sub3A_226, %max3A_228 : vector<8x2048xf32>
      %div3A_230 = arith.divf %max3A_223, %max3A_229 : vector<8x2048xf32>
      %log3A_231 = math.log %div3A_230 : vector<8x2048xf32>
      %swap3A_232 = arith.constant 1 : index
      %swap3A_233 = arith.constant 0 : index
      %swap3A_234 = arith.constant 0 : index
      %swap3A_235 = vector.load %arg4[%swap3A_232, %swap3A_233, %swap3A_234] : memref<4x8x2048xf32, #tpu.memory_space<vmem>>, vector<1x8x2048xf32>
      %swap3A_236 = vector.shape_cast %swap3A_235 : vector<1x8x2048xf32> to vector<8x2048xf32>
      %swap3A_237 = vector.shape_cast %log3A_231 : vector<8x2048xf32> to vector<1x8x2048xf32>
      tpu.vector_store %arg4[%swap3A_232, %swap3A_233, %swap3A_234], %swap3A_237 {strides = array<i32>} : memref<4x8x2048xf32, #tpu.memory_space<vmem>>, vector<1x8x2048xf32>,
      %jit3A_238 = arith.constant 0.000000e+00 : f32
      %jit3A_239 = arith.constant 1.000000e+00 : f32
      %max3A_240 = vector.broadcast %jit3A_238 : f32 to vector<8x2048xf32>
      %max3A_241 = arith.maximumf %max3A_240, %sub3A_191 : vector<8x2048xf32>
      %min3A_242 = vector.broadcast %jit3A_239 : f32 to vector<8x2048xf32>
      %min3A_243 = arith.minimumf %min3A_242, %max3A_241 : vector<8x2048xf32>
      %max3A_244 = arith.constant 9.99999974E-6 : f32
      %max3A_245 = vector.broadcast %max3A_244 : f32 to vector<8x2048xf32>
      %max3A_246 = arith.maximumf %min3A_243, %max3A_245 : vector<8x2048xf32>
      %sub3A_247 = arith.constant 1.000000e+00 : f32
      %sub3A_248 = vector.broadcast %sub3A_247 : f32 to vector<8x2048xf32>
      %sub3A_249 = arith.subf %sub3A_248, %min3A_243 : vector<8x2048xf32>
      %max3A_250 = arith.constant 9.99999974E-6 : f32
      %max3A_251 = vector.broadcast %max3A_250 : f32 to vector<8x2048xf32>
      %max3A_252 = arith.maximumf %sub3A_249, %max3A_251 : vector<8x2048xf32>
      %div3A_253 = arith.divf %max3A_246, %max3A_252 : vector<8x2048xf32>
      %log3A_254 = math.log %div3A_253 : vector<8x2048xf32>
      %swap3A_255 = arith.constant 2 : index
      %swap3A_256 = arith.constant 0 : index
      %swap3A_257 = arith.constant 0 : index
      %swap3A_258 = vector.load %arg4[%swap3A_255, %swap3A_256, %swap3A_257] : memref<4x8x2048xf32, #tpu.memory_space<vmem>>, vector<1x8x2048xf32>
      %swap3A_259 = vector.shape_cast %swap3A_258 : vector<1x8x2048xf32> to vector<8x2048xf32>
      %swap3A_260 = vector.shape_cast %log3A_254 : vector<8x2048xf32> to vector<1x8x2048xf32>
      tpu.vector_store %arg4[%swap3A_255, %swap3A_256, %swap3A_257], %swap3A_260 {strides = array<i32>} : memref<4x8x2048xf32, #tpu.memory_space<vmem>>, vector<1x8x2048xf32>,
      %jit3A_261 = arith.constant 0.000000e+00 : f32
      %jit3A_262 = arith.constant 1.000000e+00 : f32
      %max3A_263 = vector.broadcast %jit3A_261 : f32 to vector<8x2048xf32>
      %max3A_264 = arith.maximumf %max3A_263, %sub3A_192 : vector<8x2048xf32>
      %min3A_265 = vector.broadcast %jit3A_262 : f32 to vector<8x2048xf32>
      %min3A_266 = arith.minimumf %min3A_265, %max3A_264 : vector<8x2048xf32>
      %max3A_267 = arith.constant 9.99999974E-6 : f32
      %max3A_268 = vector.broadcast %max3A_267 : f32 to vector<8x2048xf32>
      %max3A_269 = arith.maximumf %min3A_266, %max3A_268 : vector<8x2048xf32>
      %sub3A_270 = arith.constant 1.000000e+00 : f32
      %sub3A_271 = vector.broadcast %sub3A_270 : f32 to vector<8x2048xf32>
      %sub3A_272 = arith.subf %sub3A_271, %min3A_266 : vector<8x2048xf32>
      %max3A_273 = arith.constant 9.99999974E-6 : f32
      %max3A_274 = vector.broadcast %max3A_273 : f32 to vector<8x2048xf32>
      %max3A_275 = arith.maximumf %sub3A_272, %max3A_274 : vector<8x2048xf32>
      %div3A_276 = arith.divf %max3A_269, %max3A_275 : vector<8x2048xf32>
      %log3A_277 = math.log %div3A_276 : vector<8x2048xf32>
      %swap3A_278 = arith.constant 3 : index
      %swap3A_279 = arith.constant 0 : index
      %swap3A_280 = arith.constant 0 : index
      %swap3A_281 = vector.load %arg4[%swap3A_278, %swap3A_279, %swap3A_280] : memref<4x8x2048xf32, #tpu.memory_space<vmem>>, vector<1x8x2048xf32>
      %swap3A_282 = vector.shape_cast %swap3A_281 : vector<1x8x2048xf32> to vector<8x2048xf32>
      %swap3A_283 = vector.shape_cast %log3A_277 : vector<8x2048xf32> to vector<1x8x2048xf32>
      tpu.vector_store %arg4[%swap3A_278, %swap3A_279, %swap3A_280], %swap3A_283 {strides = array<i32>} : memref<4x8x2048xf32, #tpu.memory_space<vmem>>, vector<1x8x2048xf32>,
    } else {
    }
    return
  }
  func.func @transform_0(%arg0: i32) -> (i32, i32, i32) {
    %c0_i32 = arith.constant 0 : i32
    %c0_i32_0 = arith.constant 0 : i32
    %c0_i32_1 = arith.constant 0 : i32
    %c0_i32_2 = arith.constant 0 : i32
    return %c0_i32, %c0_i32_0, %c0_i32_1 : i32, i32, i32
  }
  func.func @transform_1(%arg0: i32) -> (i32, i32, i32) {
    %c0_i32 = arith.constant 0 : i32
    %c0_i32_0 = arith.constant 0 : i32
    %c0_i32_1 = arith.constant 0 : i32
    %c0_i32_2 = arith.constant 0 : i32
    return %c0_i32, %c0_i32_0, %c0_i32_1 : i32, i32, i32
  }
  func.func @transform_2(%arg0: i32) -> (i32, i32) {
    %c0_i32 = arith.constant 0 : i32
    %c0_i32_0 = arith.constant 0 : i32
    return %arg0, %c0_i32 : i32, i32
  }
  func.func @transform_3(%arg0: i32) -> (i32, i32, i32) {
    %c0_i32 = arith.constant 0 : i32
    %c0_i32_0 = arith.constant 0 : i32
    %c0_i32_1 = arith.constant 0 : i32
    %c0_i32_2 = arith.constant 0 : i32
    return %c0_i32, %c0_i32_0, %c0_i32_1 : i32, i32, i32
  }
}

</mosaic_0001>

<sc_bundles>
// kernel: kernel.4.cloned.1.call-start
scs
__scs_entry_jumppad:
0x0: {  	(pc) =	sbr.rel $0x88, $3  }
0x1: {  	(tag) =	ssettag $0x0;
	lr =	simm.s32 $0x1  }
0x2: {  	[smem:$0x3F9E] =	sst lr;
	_ =	strace $0xD0000000  }
0x3: {  	_ = 	snop  }
0x4: {  	_ = 	snop  }
0x5: {  	_ = 	snop  }
0x6: {  	_ = 	snop  }
0x7: {  	_ = 	snop  }
__scs_overlays_trampoline_lowered:
0x8: {  	[smem:$0x3FAD] =	sst s0  }
0x9: {  	[smem:$0x3FAE] =	sst s1  }
0xa: {  	[smem:$0x3FAF] =	sst s2  }
0xb: {  	[smem:$0x3FB0] =	sst s3  }
0xc: {  	[smem:$0x3FB1] =	sst s4  }
0xd: {  	[smem:$0x3FB2] =	sst s5  }
0xe: {  	[smem:$0x3FB3] =	sst s6  }
0xf: {  	[smem:$0x3FB4] =	sst s7  }
0x10: {  	[smem:$0x3FB5] =	sst s8  }
0x11: {  	[smem:$0x3FB6] =	sst s9;
	s0 =	simm.s32 @!p0 $0x0  }
0x12: {  	s1 =	sld [smem:$0x3F9C];
	s0 =	simm.s32 @p0 $0x1  }
0x13: {  	[smem:$0x3FB7] =	sst s0;
	s0 =	simm.s32 @!p1 $0x0  }
0x14: {  	s2 =	sld [smem:$0x3F9B];
	s0 =	simm.s32 @p1 $0x1  }
0x15: {  	[smem:$0x3FB8] =	sst s0;
	s0 =	simm.s32 @!p2 $0x0  }
0x16: {  	s3 =	sld [smem:$0x3FDB];
	s0 =	simm.s32 @p2 $0x1  }
0x17: {  	s4 =	simm.s32 $0x1BF5;
	[smem:$0x3FBA] =	sst s0  }
0x18: {  	s0 =	sld [smem:$0x3F9D];
	_ =	swait.ge [sflag:s4], $0x0  }
0x19: {  	s7 =	sld [smem:$0x3F9E]  }
0x1a: {  	s8 =	sadd.s32 $0xFFFFE003, lr  }
0x1b: {  	s9 =	sadd.s32 $0xFFFFFEF7, lr;
	s5 =	simm.s32 $0xFFFFFFFF;
	p2 =	slt.u32 s8, $0xFFFFF086  }
0x1c: {  	p1 =	slt.u32 s9, $0xF7A;
	s5 =	simm.s32 @!p2 $0x0  }
0x1d: {  	s5 =	simm.s32 @p1 $0x1;
	p0 =	seq.s32 s7, s2  }
0x1e: {  	s7 =	smul.u32 @!p0 $0xF7A, s2;
	p2 =	seq.s32 @!p0 s5, $0x0  }
0x1f: {  	s9 =	smul.u32 $0xF7A, s1;
	s8 =	simm.s32 @!p0 $0x1BF5;
	p2 =	por !p2, p0  }
0x20: {  	[sflag:s8] =	ssyncset.s32 @!p0 $0xFFFFF086;
	s6 =	sadd.s32 @!p0 s3, s7;
	s7 =	simm.s32 @!p0 $0x108  }
0x21: {  	s3 =	sadd.s32 s3, s9;
	s6 =	sadd.s32 @!p0 $0x88, s6;
	s7 =	simm.s32 @p2 $0x1082  }
0x22: {  	[simem:s7], [sflag:s8] =	dma.local @!p0 [hbm:s6], $0xF7A  }
0x23: {  	s9 =	sor.u32 $0xD0000000, s2;
	s6 =	simm.s32 $0x108;
	_ =	swait.ge @!p0 [sflag:s8], $0x0  }
0x24: {  	s3 =	sadd.s32 $0x88, s3;
	s6 =	simm.s32 @!p1 $0x1082;
	[sflag:s4] =	ssyncset.s32 $0xFFFFF086  }
0x25: {  	[simem:s6], [sflag:s4] =	dma.local [hbm:s3], $0xF7A  }
0x26: {  	[smem:$0x3F9E] =	sst s1;
	(tag) =	ssettag s2;
	_ =	strace s9  }
0x27: {  	s1 =	sld [smem:$0x3FAE]  }
0x28: {  	s2 =	sld [smem:$0x3FAF]  }
0x29: {  	s4 =	sld [smem:$0x3FB1]  }
0x2a: {  	p0 =	seq.s32 s5, $0x0;
	s5 =	sld [smem:$0x3FB2]  }
0x2b: {  	s6 =	sld [smem:$0x3FB3]  }
0x2c: {  	s7 =	sld [smem:$0x3FB4]  }
0x2d: {  	s3 =	simm.s32 $0x108;
	s8 =	sld [smem:$0x3FB5]  }
0x2e: {  	s3 =	simm.s32 @!p0 $0x1082;
	s9 =	sld [smem:$0x3FB6]  }
0x2f: {  	lr =	sadd.s32 s0, s3;
	s0 =	sld [smem:$0x3FAD]  }
0x30: {  	s3 =	sld [smem:$0x3FB0]  }
0x31: {  	[smem:$0x3FB9] =	sst s10  }
0x32: {  	s10 =	sld [smem:$0x3FB7];
	_ =	sdelay $0x3  }
0x33: {  	p0 =	seq.s32 s10, $0x1;
	s10 =	sld [smem:$0x3FB9];
	_ =	sdelay $0x3  }
0x34: {  	[smem:$0x3FB9] =	sst s10  }
0x35: {  	s10 =	sld [smem:$0x3FB8];
	_ =	sdelay $0x3  }
0x36: {  	p1 =	seq.s32 s10, $0x1;
	s10 =	sld [smem:$0x3FB9];
	_ =	sdelay $0x3  }
0x37: {  	[smem:$0x3FB9] =	sst s10  }
0x38: {  	s10 =	sld [smem:$0x3FBA]  }
0x39: {  	_ = 	snop;
	(pc) =	sbr.ind lr, $3  }
0x3a: {  	_ = 	snop  }
0x3b: {  	_ = 	snop  }
0x3c: {  	p2 =	seq.s32 s10, $0x1;
	s10 =	sld [smem:$0x3FB9]  }
0x3d: {  	_ =	shalt  }
0x3e: {  	_ =	shalt  }
0x3f: {  	_ =	shalt  }
0x40: {  	_ =	shalt  }
0x41: {  	_ =	shalt  }
0x42: {  	_ =	shalt  }
0x43: {  	_ =	shalt  }
0x44: {  	_ =	shalt  }
0x45: {  	_ =	shalt  }
0x46: {  	_ =	shalt  }
0x47: {  	_ =	shalt  }
0x48: {  	_ =	shalt  }
0x49: {  	_ =	shalt  }
0x4a: {  	_ =	shalt  }
0x4b: {  	_ =	shalt  }
0x4c: {  	_ =	shalt  }
0x4d: {  	_ =	shalt  }
0x4e: {  	_ =	shalt  }
0x4f: {  	_ =	shalt  }
0x50: {  	_ =	shalt  }
0x51: {  	_ =	shalt  }
0x52: {  	_ =	shalt  }
0x53: {  	_ =	shalt  }
0x54: {  	_ =	shalt  }
0x55: {  	_ =	shalt  }
0x56: {  	_ =	shalt  }
0x57: {  	_ =	shalt  }
0x58: {  	_ =	shalt  }
0x59: {  	_ =	shalt  }
0x5a: {  	_ =	shalt  }
0x5b: {  	_ =	shalt  }
0x5c: {  	_ =	shalt  }
0x5d: {  	_ =	shalt  }
0x5e: {  	_ =	shalt  }
0x5f: {  	_ =	shalt  }
0x60: {  	_ =	shalt  }
0x61: {  	_ =	shalt  }
0x62: {  	_ =	shalt  }
0x63: {  	_ =	shalt  }
0x64: {  	_ =	shalt  }
0x65: {  	_ =	shalt  }
0x66: {  	_ =	shalt  }
0x67: {  	_ =	shalt  }
0x68: {  	_ =	shalt  }
0x69: {  	_ =	shalt  }
0x6a: {  	_ =	shalt  }
0x6b: {  	_ =	shalt  }
0x6c: {  	_ =	shalt  }
0x6d: {  	_ =	shalt  }
0x6e: {  	_ =	shalt  }
0x6f: {  	_ =	shalt  }
0x70: {  	_ =	shalt  }
0x71: {  	_ =	shalt  }
0x72: {  	_ =	shalt  }
0x73: {  	_ =	shalt  }
0x74: {  	_ =	shalt  }
0x75: {  	_ =	shalt  }
0x76: {  	_ =	shalt  }
0x77: {  	_ =	shalt  }
0x78: {  	_ =	shalt  }
0x79: {  	_ =	shalt  }
0x7a: {  	_ =	shalt  }
0x7b: {  	_ =	shalt  }
0x7c: {  	_ =	shalt  }
0x7d: {  	_ =	shalt  }
0x7e: {  	_ =	shalt  }
0x7f: {  	_ =	shalt  }
0x80: {  	_ =	shalt  }
0x81: {  	_ =	shalt  }
0x82: {  	_ =	shalt  }
0x83: {  	_ =	shalt  }
0x84: {  	_ =	shalt  }
0x85: {  	_ =	shalt  }
0x86: {  	_ =	shalt  }
0x87: {  	_ =	shalt  }
.Lfunc_end0:
.L_simem_size_0:
called_computation_lowered:
.L_overlay_start_0:
0x88: {  	s2 =	sld [smem:$0x3FD9]  }
0x89: {  	s3 =	sld [smem:$0x3FFE];
	_ =	sdelay $0x1  }
0x8a: {  	s1 =	srdreg.scid  }
0x8b: {  	s0 =	sand.u32 $0x1, s1  }
0x8c: {  	s14 =	sshll.u32 s0, $0xA;
	s2 =	sadd.s32 s3, s2  }
0x8d: {  	s2 =	sadd.s32 s2, s14  }
0x8e: {  	[smem:$0x3FC5] =	sst s2  }
0x8f: {  	_ = 	snop  }
0x90: {  	s2 =	sld [smem:$0x3FD0];
	_ =	sdelay $0x2  }
0x91: {  	s4 =	simm.s32 $0xA;
	s5 =	simm.s32 $0x10;
	s15 =	sld [smem:$0x3FC9]  }
0x92: {  	[smem:s5], [sflag:s4] =	dma.local [hbm:s2], $0x1  }
0x93: {  	_ =	swait.eq [sflag:s4], $0x1  }
0x94: {  	[sflag:s4] =	ssyncset.done $0x0  }
0x95: {  	[sflag:s4] =	ssyncadd.s32 $0xFFFFFFFF  }
0x96: {  	s16 =	sld [smem:$0x10];
	(tm) =	ssettm $0x1  }
0x97: {  	s17 =	sld [smem:$0x3FFB];
	_ =	sdelay $0x3  }
0x98: {  	_ =	strace s17  }
0x99: {  	s4 =	sld [smem:$0x3FFC];
	_ =	sdelay $0x3  }
0x9a: {  	_ =	strace s4  }
0x9b: {  	s4 =	sld [smem:$0x3FFD];
	_ =	sdelay $0x3  }
0x9c: {  	_ =	strace s4  }
0x9d: {  	_ =	strace $0x8FFFFFFF  }
0x9e: {  	s18 =	sld [smem:$0x3FDB];
	_ =	sdelay $0x1  }
0x9f: {  	s19 =	simm.s32 $_scs_section_size  }
0xa0: {  	s6 =	simm.s32 $_size__tile_overlayer_lowered;
	s7 =	simm.s32 $_tile_overlayer_lowered  }
0xa1: {  	s22 =	simm.s32 $0x1BFF;
	s21 =	sshll.u32 s7, $0x1;
	s4 =	sadd.s32 s19, s18  }
0xa2: {  	s8 =	simm.s32 $0x0;
	s20 =	sshll.u32 s6, $0x1;
	s6 =	sadd.s32 s21, s4  }
0xa3: {  	[timem:s8], [sflag:s22] =	dma.local [hbm:s6], s20  }
0xa4: {  	_ =	swait.ge [sflag:s22], s20  }
0xa5: {  	s5 =	ssub.s32 $0x0, s20;
	[sflag:s22] =	ssyncset.done $0x0  }
0xa6: {  	[sflag:s22] =	ssyncadd.s32 s5;
	_ =	sdelay $0x1  }
0xa7: {  	s23 =	simm.s32 $0x1B8B  }
0xa8: {  	_ =	swait.ge [sflag:s23], $0x1  }
0xa9: {  	[sflag:s23] =	ssyncset.done $0x0  }
0xaa: {  	s25 =	simm.s32 $0x1B8E;
	s24 =	sld [smem:$0x3FFE];
	[sflag:s23] =	ssyncadd.s32 $0xFFFFFFFF  }
0xab: {  	s26 =	simm.s32 $execute0_lowered;
	[smem:$0x3FD2] =	sst s25  }
0xac: {  	s6 =	sshll.u32 s26, $0x1;
	_ =	strace $0x80000046;
	[dreg:$0x1] =	wrdreg $0xFFFFFFFF  }
0xad: {  	s28 =	simm.s32 $_size_execute0_lowered;
	s4 =	sadd.s32 s4, s6;
	[dreg:$0x0] =	wrdreg $0x0  }
0xae: {  	s6 =	sshll.u32 s28, $0x1;
	[dreg:$0x2] =	wrdreg s4  }
0xaf: {  	[dreg:$0x3] =	wrdreg s6  }
0xb0: {  	[dreg:$0x4] =	wrdreg $0xC0  }
0xb1: {  	_ =	task [dreg:s8], $0x5FFFF  }
0xb2: {  	[dreg:$0x1] =	wrdreg $0xFFFFFFFF  }
0xb3: {  	[dreg:$0x0] =	wrdreg $0x60  }
0xb4: {  	[dreg:$0x2] =	wrdreg s15  }
0xb5: {  	[dreg:$0x3] =	wrdreg s16  }
0xb6: {  	[dreg:$0x4] =	wrdreg s24  }
0xb7: {  	[dreg:$0x5] =	wrdreg $0x9  }
0xb8: {  	_ =	task.clear_ibuf [dreg:s8], $0x6FFFF;
	_ =	strace $0x90000046  }
0xb9: {  	s29 =	simm.s32 $0x9;
	_ =	strace $0x80000048  }
0xba: {  	_ =	swait.ge [sflag:s29], $0x1  }
0xbb: {  	[sflag:s29] =	ssyncadd.s32 $0xFFFFFFFF  }
0xbc: {  	_ =	strace $0x90000048  }
0xbd: {  	_ =	sfence  }
0xbe: {  	s30 =	sld [smem:$0x0];
	_ =	sdelay $0x2  }
0xbf: {  	s31 =	sshll.u32 s1, $0xD;
	s1 =	sshrl.u32 s1, $0x2  }
0xc0: {  	s3 =	sand.u32 $0x4000, s31;
	s1 =	sadd.s32 s1, s30  }
0xc1: {  	s0 =	sor.u32 s3, s0;
	s1 =	sshll.u32 s1, $0x11  }
0xc2: {  	s0 =	sor.u32 s1, s0  }
0xc3: {  	s0 =	sadd.s32 $0x8F2B, s0  }
0xc4: {  	[sflag:s0] =	ssyncadd.remote.s32 $0x1  }
0xc5: {  	_ =	sfence.sel $0xFFFF  }
0xc6: {  	[dreg:$0x0] =	wrdreg $0xFFFFFFFF;
	(pc) =	sbr.abs _section_cstart, $3  }
0xc7: {  	[dreg:$0x1] =	wrdreg $0xFFFFFFFF  }
0xc8: {  	_ =	task.clear_ibuf [dreg:s8], $0x2FFFF;
	_ =	strace $0x9FFFFFFF  }
0xc9: {  	(tm) =	ssettm $0x7FFFFFFF  }
tec
execute0_lowered:
.L_overlay_start_1:
0x0: {  	(tag) =	ssettag $0x1  }
0x1: {  	s6 =	srdreg.scid;
	s1 =	stileid.u32  }
0x2: {  	s3 =	rddreg [dreg:$0x0];
	s6 =	sand.u32 $0x1, s6;
	s7 =	sshll.u32 s1, $0x1  }
0x3: {  	s4 =	rddreg [dreg:$0x1];
	s7 =	sor.u32 s6, s7  }
0x4: {  	s5 =	rddreg [dreg:$0x2];
	s2 =	simm.s32 $0x0;
	s19 =	sshll.u32 s7, $0x9  }
0x5: {  	v15 =	vlaneseq.u32;
	s8 =	sshll.u32 s7, $0x6;
	s10 =	sshll.u32 s7, $0x5;
	s7 =	sand.u32 $0x600, s19  }
0x6: {  	[smem:$0x7FF] =	sst s2;
	s20 =	sor.u32 $0x10, s7;
	v56 =	vor.u32 s7, v15  }
0x7: {  	s0 =	rddreg [dreg:$0x3];
	_ =	strace $0x80000047;
	s21 =	sor.u32 $0x20, s7;
	v0 =	vor.u32 s20, v15;
	[tilespmem:$0x1FF80] =	vst v56  }
0x8: {  	s22 =	sor.u32 $0x30, s7;
	v49 =	vor.u32 s21, v15;
	[tilespmem:$0x1FF00] =	vst v0  }
0x9: {  	s13 =	sor.u32 $0x40, s7;
	v50 =	vor.u32 s22, v15;
	[tilespmem:$0x1FF10] =	vst v49  }
0xa: {  	s23 =	sor.u32 $0x50, s7;
	v51 =	vor.u32 s13, v15;
	[tilespmem:$0x1FF20] =	vst v50  }
0xb: {  	s14 =	sor.u32 $0x60, s7;
	v52 =	vor.u32 s23, v15;
	[tilespmem:$0x1FF30] =	vst v51  }
0xc: {  	s15 =	sor.u32 $0x70, s7;
	v53 =	vor.u32 s14, v15;
	[tilespmem:$0x1FF40] =	vst v52  }
0xd: {  	s24 =	sor.u32 $0x100, s7;
	v54 =	vor.u32 s15, v15;
	[tilespmem:$0x1FF50] =	vst v53  }
0xe: {  	s25 =	sor.u32 $0x110, s7;
	v55 =	vor.u32 s24, v15;
	[tilespmem:$0x1FF60] =	vst v54  }
0xf: {  	s11 =	sshll.u32 s1, $0x3;
	s6 =	ssub.s32 $0x2, s6;
	s26 =	sor.u32 $0x120, s7;
	v57 =	vor.u32 s25, v15;
	[tilespmem:$0x1FF70] =	vst v55  }
0x10: {  	s18 =	sand.u32 $0x70, s11;
	s11 =	simm.s32 $0x280;
	s28 =	sor.u32 $0x130, s7;
	v58 =	vor.u32 s26, v15;
	[tilespmem:$0x1FF90] =	vst v57  }
0x11: {  	s17 =	sshrl.u32 s6, $0x1;
	s3 =	sadd.s32 s3, s18;
	s29 =	sor.u32 $0x140, s7;
	v59 =	vor.u32 s28, v15;
	[tilespmem:$0x1FFA0] =	vst v58  }
0x12: {  	s9 =	sadd.s32 s8, s5;
	s10 =	sadd.s32 s10, s5;
	s30 =	sor.u32 $0x150, s7;
	v60 =	vor.u32 s29, v15;
	[tilespmem:$0x1FFB0] =	vst v59  }
0x13: {  	s12 =	ssub.s32 s6, s17;
	s4 =	sadd.s32 s4, s8;
	s31 =	sor.u32 $0x160, s7;
	v61 =	vor.u32 s30, v15;
	[tilespmem:$0x1FFC0] =	vst v60  }
0x14: {  	s5 =	sadd.s32 $0xC00, s9;
	s6 =	sadd.s32 $0x1400, s9;
	s16 =	sor.u32 $0x170, s7;
	v62 =	vor.u32 s31, v15;
	[tilespmem:$0x1FFD0] =	vst v61  }
0x15: {  	s7 =	sadd.s32 $0x1C00, s10;
	s8 =	smax.u32 s12, $0x1;
	s9 =	simm.s32 $0x1;
	v63 =	vor.u32 s16, v15;
	[tilespmem:$0x1FFE0] =	vst v62  }
0x16: {  	s10 =	simm.s32 $0x80;
	s12 =	simm.s32 $0x480;
	s13 =	simm.s32 $0x680;
	[tilespmem:$0x1FFF0] =	vst v63  }
.LBB2_1:
0x17: {  	[tilespmem:s2], [sflag:$0x1] =	stream.linear.gather [hbm4b:s3+s2], $0x80, $0x38;
	[tilespmem:$0x780] =	vst v63  }
0x18: {  	_ =	swait.ge [sflag:s9], $0x80  }
0x19: {  	[sflag:s9] =	ssyncset.done $0x0  }
0x1a: {  	[sflag:s9] =	ssyncadd.s32 $0xFFFFFF80  }
0x1b: {  	[tilespmem:s10], [sflag:$0x1] =	stream.linear.gather [hbm4b:s4+s2], $0x200, $0x38;
	[tilespmem:$0x780] =	vst v63  }
0x1c: {  	_ =	swait.ge [sflag:s9], $0x200  }
0x1d: {  	[sflag:s9] =	ssyncset.done $0x0  }
0x1e: {  	[sflag:s9] =	ssyncadd.s32 $0xFFFFFE00  }
0x1f: {  	[tilespmem:s11], [sflag:$0x1] =	stream.linear.gather [hbm4b:s5+s2], $0x200, $0x38;
	[tilespmem:$0x780] =	vst v63  }
0x20: {  	_ =	swait.ge [sflag:s9], $0x200  }
0x21: {  	[sflag:s9] =	ssyncset.done $0x0  }
0x22: {  	[sflag:s9] =	ssyncadd.s32 $0xFFFFFE00  }
0x23: {  	v16 =	vld [tilespmem:$0x0]  }
0x24: {  	v17 =	vld [tilespmem:$0x80]  }
0x25: {  	v18 =	vld [tilespmem:$0x280]  }
0x26: {  	v19 =	vld [tilespmem:$0x10]  }
0x27: {  	v20 =	vld [tilespmem:$0x90]  }
0x28: {  	v21 =	vld [tilespmem:$0x290]  }
0x29: {  	v22 =	vld [tilespmem:$0x20]  }
0x2a: {  	v23 =	vld [tilespmem:$0xA0]  }
0x2b: {  	v24 =	vld [tilespmem:$0x2A0]  }
0x2c: {  	v25 =	vld [tilespmem:$0x30]  }
0x2d: {  	v26 =	vld [tilespmem:$0xB0]  }
0x2e: {  	v27 =	vld [tilespmem:$0x2B0]  }
0x2f: {  	v28 =	vld [tilespmem:$0x40]  }
0x30: {  	v29 =	vld [tilespmem:$0xC0]  }
0x31: {  	v30 =	vld [tilespmem:$0x2C0]  }
0x32: {  	v31 =	vld [tilespmem:$0x50]  }
0x33: {  	v32 =	vld [tilespmem:$0xD0]  }
0x34: {  	v33 =	vld [tilespmem:$0x2D0]  }
0x35: {  	v34 =	vld [tilespmem:$0x60]  }
0x36: {  	v35 =	vld [tilespmem:$0xE0]  }
0x37: {  	v36 =	vld [tilespmem:$0x2E0]  }
0x38: {  	v37 =	vld [tilespmem:$0x70]  }
0x39: {  	v38 =	vld [tilespmem:$0xF0]  }
0x3a: {  	v39 =	vld [tilespmem:$0x2F0]  }
0x3b: {  	v40 =	vld [tilespmem:$0x0]  }
0x3c: {  	v41 =	vld [tilespmem:$0x100]  }
0x3d: {  	v42 =	vld [tilespmem:$0x300]  }
0x3e: {  	v43 =	vld [tilespmem:$0x10]  }
0x3f: {  	v44 =	vld [tilespmem:$0x110]  }
0x40: {  	v45 =	vld [tilespmem:$0x310]  }
0x41: {  	v46 =	vld [tilespmem:$0x20]  }
0x42: {  	v47 =	vld [tilespmem:$0x120]  }
0x43: {  	v48 =	vld [tilespmem:$0x320]  }
0x44: {  	v49 =	vld [tilespmem:$0x30]  }
0x45: {  	v50 =	vld [tilespmem:$0x130]  }
0x46: {  	v51 =	vld [tilespmem:$0x330]  }
0x47: {  	v52 =	vld [tilespmem:$0x40]  }
0x48: {  	v53 =	vld [tilespmem:$0x140]  }
0x49: {  	v54 =	vld [tilespmem:$0x340]  }
0x4a: {  	v55 =	vld [tilespmem:$0x50]  }
0x4b: {  	v56 =	vld [tilespmem:$0x150]  }
0x4c: {  	v57 =	vld [tilespmem:$0x350]  }
0x4d: {  	v58 =	vld [tilespmem:$0x60]  }
0x4e: {  	v59 =	vld [tilespmem:$0x160]  }
0x4f: {  	v60 =	vld [tilespmem:$0x360]  }
0x50: {  	v61 =	vld [tilespmem:$0x70]  }
0x51: {  	v62 =	vld [tilespmem:$0x170]  }
0x52: {  	v63 =	vld [tilespmem:$0x370]  }
0x53: {  	v0 =	vld [tilespmem:$0x0]  }
0x54: {  	v1 =	vld [tilespmem:$0x180]  }
0x55: {  	v2 =	vld [tilespmem:$0x380]  }
0x56: {  	v3 =	vld [tilespmem:$0x10]  }
0x57: {  	v4 =	vld [tilespmem:$0x190]  }
0x58: {  	v5 =	vld [tilespmem:$0x390]  }
0x59: {  	v9 =	vld [tilespmem:$0x20]  }
0x5a: {  	v7 =	vld [tilespmem:$0x1A0]  }
0x5b: {  	v8 =	vld [tilespmem:$0x3A0]  }
0x5c: {  	v6 =	vld [tilespmem:$0x30]  }
0x5d: {  	v10 =	vld [tilespmem:$0x1B0]  }
0x5e: {  	v14 =	vld [tilespmem:$0x40]  }
0x5f: {  	v11 =	vld [tilespmem:$0x3B0]  }
0x60: {  	v15 =	vld [tilespmem:$0x50]  }
0x61: {  	v12 =	vld [tilespmem:$0x60]  }
0x62: {  	v13 =	vld [tilespmem:$0x1C0]  }
0x63: {  	[tilespmem:$0x1FED0] =	vst v14;
	v14 =	vld [tilespmem:$0x3C0]  }
0x64: {  	[tilespmem:$0x1FEC0] =	vst v6;
	v6 =	vld [tilespmem:$0x1D0]  }
0x65: {  	[tilespmem:$0x1FEE0] =	vst v15;
	v15 =	vld [tilespmem:$0x3D0]  }
0x66: {  	[tilespmem:$0x1FEF0] =	vst v12;
	v12 =	vld [tilespmem:$0x1E0]  }
0x67: {  	vm0 =	veq.s32 v17, $0x0;
	v17 =	vld [tilespmem:$0x3E0]  }
0x68: {  	vm9 =	veq.s32 v20, $0x0;
	v20 =	vld [tilespmem:$0x3F0]  }
0x69: {  	vm10 =	veq.s32 v23, $0x0;
	v23 =	vld [tilespmem:$0x400]  }
0x6a: {  	vm15 =	veq.s32 v38, $0x0;
	v38 =	vld [tilespmem:$0x210]  }
0x6b: {  	vm5 =	veq.s32 v44, $0x0;
	v44 =	vld [tilespmem:$0x220]  }
0x6c: {  	vm7 =	veq.s32 v50, $0x0;
	v50 =	vld [tilespmem:$0x230];
	v16 =	vsel vm0, v16, v18  }
0x6d: {  	v18 =	vld [tilespmem:$0x70];
	v21 =	vsel vm9, v19, v21;
	[tilespmem:$0x480] =	vst v16  }
0x6e: {  	vm11 =	veq.s32 v26, $0x0;
	vm12 =	veq.s32 v29, $0x0;
	v19 =	vld [tilespmem:$0x1F0];
	v24 =	vsel vm10, v22, v24;
	[tilespmem:$0x490] =	vst v21  }
0x6f: {  	vm13 =	veq.s32 v32, $0x0;
	vm4 =	veq.s32 v41, $0x0;
	v27 =	vsel vm11, v25, v27;
	v22 =	vld [tilespmem:$0x200];
	[tilespmem:$0x4A0] =	vst v24  }
0x70: {  	v30 =	vsel vm12, v28, v30;
	v37 =	vsel vm15, v37, v39;
	v39 =	vsel vm4, v40, v42;
	v40 =	vld [tilespmem:$0x410];
	[tilespmem:$0x4B0] =	vst v27  }
0x71: {  	vm14 =	veq.s32 v35, $0x0;
	vm6 =	veq.s32 v47, $0x0;
	v33 =	vsel vm13, v31, v33;
	v42 =	vld [tilespmem:$0x20];
	[tilespmem:$0x4C0] =	vst v30  }
0x72: {  	v36 =	vsel vm14, v34, v36;
	v41 =	vsel vm5, v43, v45;
	v43 =	vsel vm6, v46, v48;
	v46 =	vld [tilespmem:$0x420];
	[tilespmem:$0x4D0] =	vst v33  }
0x73: {  	vm8 =	veq.s32 v53, $0x0;
	v48 =	vld [tilespmem:$0x30];
	[tilespmem:$0x4E0] =	vst v36  }
0x74: {  	v47 =	vsel vm8, v52, v54;
	v52 =	vld [tilespmem:$0x430];
	[tilespmem:$0x4F0] =	vst v37  }
0x75: {  	v54 =	vld [tilespmem:$0x40];
	[tilespmem:$0x500] =	vst v39  }
0x76: {  	vm10 =	veq.s32 v59, $0x0;
	v59 =	vld [tilespmem:$0x50];
	[tilespmem:$0x510] =	vst v41  }
0x77: {  	v45 =	vsel vm7, v49, v51;
	vm11 =	veq.s32 v62, $0x0;
	v62 =	vld [tilespmem:$0x1FED0];
	[tilespmem:$0x520] =	vst v43  }
0x78: {  	vm9 =	veq.s32 v56, $0x0;
	v34 =	vld [tilespmem:$0x260];
	[tilespmem:$0x530] =	vst v45  }
0x79: {  	v21 =	vld [tilespmem:$0x0];
	[tilespmem:$0x540] =	vst v47;
	v49 =	vsel vm9, v55, v57  }
0x7a: {  	v24 =	vld [tilespmem:$0x10];
	v51 =	vsel vm10, v58, v60;
	[tilespmem:$0x550] =	vst v49  }
0x7b: {  	vm12 =	veq.s32 v1, $0x0;
	v53 =	vsel vm11, v61, v63;
	v55 =	vld [tilespmem:$0x240];
	[tilespmem:$0x560] =	vst v51  }
0x7c: {  	vm13 =	veq.s32 v4, $0x0;
	v0 =	vsel vm12, v0, v2;
	v60 =	vld [tilespmem:$0x1FEC0];
	[tilespmem:$0x570] =	vst v53  }
0x7d: {  	vm14 =	veq.s32 v7, $0x0;
	v56 =	vsel vm13, v3, v5;
	v57 =	vld [tilespmem:$0x440];
	[tilespmem:$0x580] =	vst v0  }
0x7e: {  	v58 =	vsel vm14, v9, v8;
	v61 =	vld [tilespmem:$0x250];
	[tilespmem:$0x590] =	vst v56;
	vm10 =	veq.s32 v44, $0x0  }
0x7f: {  	v16 =	vld [tilespmem:$0x60];
	[tilespmem:$0x5A0] =	vst v58;
	vm11 =	veq.s32 v50, $0x0;
	v41 =	vsel vm10, v42, v46  }
0x80: {  	vm15 =	veq.s32 v10, $0x0;
	v36 =	vld [tilespmem:$0x460];
	v43 =	vsel vm11, v48, v52;
	[tilespmem:$0x620] =	vst v41  }
0x81: {  	v63 =	vld [tilespmem:$0x450];
	vm7 =	veq.s32 v19, $0x0;
	v0 =	vsel vm15, v60, v11;
	[tilespmem:$0x630] =	vst v43  }
0x82: {  	vm9 =	veq.s32 v38, $0x0;
	v38 =	vld [tilespmem:$0x70];
	vm8 =	veq.s32 v22, $0x0;
	v35 =	vsel vm7, v18, v20;
	[tilespmem:$0x5B0] =	vst v0  }
0x83: {  	vm4 =	veq.s32 v13, $0x0;
	v37 =	vsel vm8, v21, v23;
	v39 =	vsel vm9, v24, v40;
	v40 =	vld [tilespmem:$0x270];
	[tilespmem:$0x5F0] =	vst v35  }
0x84: {  	vm14 =	veq.s32 v34, $0x0;
	v0 =	vsel vm4, v62, v14;
	v14 =	vld [tilespmem:$0x1FEE0];
	[tilespmem:$0x600] =	vst v37  }
0x85: {  	v42 =	vld [tilespmem:$0x470];
	v46 =	vsel vm14, v16, v36;
	[tilespmem:$0x610] =	vst v39  }
0x86: {  	v33 =	vld [tilespmem:$0x1FEF0];
	vm12 =	veq.s32 v55, $0x0;
	[tilespmem:$0x660] =	vst v46  }
0x87: {  	vm13 =	veq.s32 v61, $0x0;
	v44 =	vsel vm12, v54, v57;
	[tilespmem:$0x5C0] =	vst v0  }
0x88: {  	vm5 =	veq.s32 v6, $0x0;
	v45 =	vsel vm13, v59, v63;
	[tilespmem:$0x640] =	vst v44  }
0x89: {  	[tilespmem:$0x650] =	vst v45;
	vm15 =	veq.s32 v40, $0x0;
	v0 =	vsel vm5, v14, v15  }
0x8a: {  	vm6 =	veq.s32 v12, $0x0;
	v47 =	vsel vm15, v38, v42;
	[tilespmem:$0x5D0] =	vst v0  }
0x8b: {  	v0 =	vsel vm6, v33, v17;
	[tilespmem:$0x670] =	vst v47  }
0x8c: {  	[tilespmem:$0x5E0] =	vst v0  }
0x8d: {  	[hbm4b:s6+s2] =	stream.linear.scatter [tilespmem:s12], [sflag:$0x1], $0x200, $0x38;
	[tilespmem:$0x780] =	vst v63  }
0x8e: {  	_ =	swait.ge [sflag:s9], $0x200  }
0x8f: {  	v48 =	vld [tilespmem:$0x1FF80]  }
0x90: {  	v49 =	vld [tilespmem:$0x1FF00]  }
0x91: {  	v50 =	vld [tilespmem:$0x1FF10]  }
0x92: {  	[sflag:s9] =	ssyncset.done $0x0;
	v51 =	vld [tilespmem:$0x1FF20]  }
0x93: {  	v52 =	vld [tilespmem:$0x1FF30];
	[sflag:s9] =	ssyncadd.s32 $0xFFFFFE00  }
0x94: {  	v53 =	vld [tilespmem:$0x1FF40];
	[tilespmem:$0x680] =	vst v48  }
0x95: {  	v54 =	vld [tilespmem:$0x1FF50];
	[tilespmem:$0x690] =	vst v49  }
0x96: {  	v55 =	vld [tilespmem:$0x1FF60];
	[tilespmem:$0x6A0] =	vst v50  }
0x97: {  	v56 =	vld [tilespmem:$0x1FF70];
	[tilespmem:$0x6B0] =	vst v51  }
0x98: {  	v57 =	vld [tilespmem:$0x1FF90];
	[tilespmem:$0x6C0] =	vst v52  }
0x99: {  	v58 =	vld [tilespmem:$0x1FFA0];
	[tilespmem:$0x6D0] =	vst v53  }
0x9a: {  	v59 =	vld [tilespmem:$0x1FFB0];
	[tilespmem:$0x6E0] =	vst v54  }
0x9b: {  	v60 =	vld [tilespmem:$0x1FFC0];
	[tilespmem:$0x6F0] =	vst v55  }
0x9c: {  	v61 =	vld [tilespmem:$0x1FFD0];
	[tilespmem:$0x700] =	vst v56  }
0x9d: {  	v62 =	vld [tilespmem:$0x1FFE0];
	[tilespmem:$0x710] =	vst v57  }
0x9e: {  	v63 =	vld [tilespmem:$0x1FFF0];
	[tilespmem:$0x720] =	vst v58  }
0x9f: {  	[tilespmem:$0x730] =	vst v59  }
0xa0: {  	[tilespmem:$0x740] =	vst v60  }
0xa1: {  	[tilespmem:$0x750] =	vst v61  }
0xa2: {  	p0 =	sne.s32 s8, $0x1;
	[tilespmem:$0x760] =	vst v62  }
.Ltmp0:
0xa3: {  	[tilespmem:$0x770] =	vst v63;
	(pc) =	sbr.rel @p0 .LBB2_1-.Ltmp0, $4  }
0xa4: {  	[hbm4b:s7+s2] =	stream.linear.scatter [tilespmem:s13], [sflag:$0x1], $0x100, $0x38;
	[tilespmem:$0x780] =	vst v63  }
0xa5: {  	_ =	swait.ge [sflag:s9], $0x100  }
0xa6: {  	[sflag:s9] =	ssyncset.done $0x0  }
0xa7: {  	s8 =	sadd.s32 $0xFFFFFFFF, s8;
	[sflag:s9] =	ssyncadd.s32 $0xFFFFFF00  }
0xa8: {  	_ =	sfence.sel $0x180000  }
0xa9: {  	[bflag:$0x0] =	sbarrier.arrive $0xFFFF  }
0xaa: {  	p0 =	sne.s32 s1, $0x0;
	_ =	strace $0x90000047  }
0xab: {  	s0 =	sadd.s32 @!p0 $0x100000, s0;
	[bflag:$0x2] =	sbarrier.arrive $0xFFFF  }
0xac: {  	[sflag:s0] =	ssyncadd.tile.s32 @!p0 $0x1;
	_ =	shalt  }
.Lfunc_end2:
_tile_overlayer_lowered:
.L_overlay_start_2:
0xad: {  	(tag) =	ssettag $0x2  }
0xae: {  	s0 =	rddreg [dreg:$0x0];
	s2 =	stileid.u32  }
0xaf: {  	s1 =	rddreg [dreg:$0x1];
	p0 =	sne.s32 s2, $0x0  }
0xb0: {  	s3 =	rddreg [dreg:$0x2];
	[bflag:$0x3] =	sbarrier.arrive $0xFFFF;
	s2 =	simm.s32 @!p0 $0x1C01  }
0xb1: {  	[timem:s3], [sflag:s2] =	dma.local @!p0 [hbm:s0], s1  }
0xb2: {  	s0 =	simm.s32 @!p0 $0x1  }
0xb3: {  	_ =	swait.ge @!p0 [sflag:s0], s1  }
0xb4: {  	s1 =	ssub.s32 @!p0 $0x0, s1;
	[sflag:s0] =	ssyncset.done @!p0 $0x0  }
0xb5: {  	[sflag:s0] =	ssyncadd.s32 @!p0 s1  }
0xb6: {  	[bflag:$0x3] =	sbarrier.arrive $0xFFFF  }
0xb7: {  	_ =	shalt  }

</sc_bundles>
